<compile_context>
chip_gen: v7x
topology: tpu7x:2x2x1
jax: 0.10.2.dev20260603
libtpu: 0.0.44.dev20260713+nightly
codegen_flags: <defaults>
</compile_context>

<pallas_src>
import jax
import jax.numpy as jnp
from jax import lax
from jax.experimental import pallas as pl
from jax.experimental.pallas import tpu as pltpu
from jax.experimental.pallas import tpu_sc as plsc

N_NODE = 10000
D = 128
E = 320000
NC = 2
NS = 16
NW = NC * NS
CH = 128
G = 8
TOTC = -(-E // CH)
TOTC = NS * G * (-(-TOTC // (NS * G)))
E_PAD = TOTC * CH
CPT_F = 128
CPT_S = TOTC // NS - CPT_F
NG_F = CPT_F // G
NG_S = CPT_S // G
ROWS = 128 * (-(-N_NODE // 128))
RPT = ROWS // NS
DUMMY = N_NODE


def _sc_body(feat, srci, dsti, zacc, ones, sums, cnts,
             src_g, dst_g, buf0, buf1, acc_s, sem0, sem1, semb):
    c = lax.axis_index("c")
    s = lax.axis_index("s")
    base = s * RPT
    ng = jnp.where(c == 1, NG_F, NG_S)
    chunk0 = jnp.where(c == 1, s * CPT_F, NS * CPT_F + s * CPT_S)
    _ = jnp.int32(0)
    pltpu.sync_copy(zacc, acc_s.at[pl.ds(base, RPT)])
    plsc.subcore_barrier()

    bufs = (buf0, buf1)
    sems = (sem0, sem1)

    def grp_a(g, carry):
        row = chunk0 + g * G
        pltpu.sync_copy(srci.at[pl.ds(row, G)], src_g)
        pltpu.sync_copy(dsti.at[pl.ds(row, G)], dst_g)
        pend = pltpu.async_copy(feat.at[src_g.at[0]], buf0, sem0)
        for j in range(G):
            if j + 1 < G:
                nxt = pltpu.async_copy(feat.at[src_g.at[j + 1]],
                                       bufs[(j + 1) % 2], sems[(j + 1) % 2])
            pend.wait()
            pltpu.sync_copy(bufs[j % 2], acc_s.at[dst_g.at[j]], add=True)
            if j + 1 < G:
                pend = nxt
        return carry

    lax.fori_loop(0, ng, grp_a, 0)
    plsc.subcore_barrier()
    pltpu.sync_copy(acc_s.at[pl.ds(base, RPT)], sums.at[c, pl.ds(base, RPT)])
    plsc.subcore_barrier()

    pltpu.sync_copy(zacc, acc_s.at[pl.ds(base, RPT)])
    pltpu.sync_copy(ones, buf0)
    plsc.subcore_barrier()

    def grp_b(g, carry):
        row = chunk0 + g * G
        pltpu.sync_copy(dsti.at[pl.ds(row, G)], dst_g)
        descs = [pltpu.async_copy(buf0, acc_s.at[dst_g.at[j]], semb, add=True)
                 for j in range(G)]
        for d in descs:
            d.wait()
        return carry

    lax.fori_loop(0, ng, grp_b, 0)
    plsc.subcore_barrier()
    pltpu.sync_copy(acc_s.at[pl.ds(base, RPT)], cnts.at[c, pl.ds(base, RPT)])


@jax.jit
def _sc_segment_sum(feat, src_pad, dst_pad):
    zacc = jnp.zeros((RPT, D), jnp.float32)
    ones = jnp.ones((CH, D), jnp.float32)
    mesh = plsc.VectorSubcoreMesh(core_axis_name="c", subcore_axis_name="s")
    f = pl.kernel(
        _sc_body,
        out_type=(
            jax.ShapeDtypeStruct((NC, ROWS, D), jnp.float32),
            jax.ShapeDtypeStruct((NC, ROWS, D), jnp.float32),
        ),
        mesh=mesh,
        scratch_types=[
            pltpu.VMEM((G, CH), jnp.int32),
            pltpu.VMEM((G, CH), jnp.int32),
            pltpu.VMEM((CH, D), jnp.float32),
            pltpu.VMEM((CH, D), jnp.float32),
            pltpu.VMEM_SHARED((ROWS, D), jnp.float32),
            pltpu.SemaphoreType.DMA,
            pltpu.SemaphoreType.DMA,
            pltpu.SemaphoreType.DMA,
        ],
    )
    return f(feat, src_pad, dst_pad, zacc, ones)


def _tc_body(sf, cf, sc_, cc, sb, cb, wf, bf, wc, bc, wb, bb, hu, hi):
    def rel(s_ref, c_ref, w_ref, b_ref):
        s = s_ref[0] + s_ref[1]
        cnt = c_ref[0, :, 0:1] + c_ref[1, :, 0:1]
        mean = s * (1.0 / jnp.maximum(cnt, 1.0))
        h = lax.dot_general(mean, w_ref[...], (((1,), (1,)), ((), ())),
                            preferred_element_type=jnp.float32)
        return jnp.where(cnt > 0.0, h + b_ref[...], 0.0)

    hu[...] = rel(sf, cf, wf, bf) + rel(sb, cb, wb, bb)
    hi[...] = rel(sc_, cc, wc, bc)


@jax.jit
def _tc_combine(Sf, Cf, Sc, Cc, Sb, Cb, Wf, bf, Wc, bc, Wb, bb):
    BR = 1000
    grid = (N_NODE // BR,)
    s_spec = pl.BlockSpec((NC, BR, D), lambda i: (0, i, 0))
    w_spec = pl.BlockSpec((D, D), lambda i: (0, 0))
    b_spec = pl.BlockSpec((1, D), lambda i: (0, 0))
    o_spec = pl.BlockSpec((BR, D), lambda i: (i, 0))
    return pl.pallas_call(
        _tc_body,
        grid=grid,
        in_specs=[s_spec, s_spec, s_spec, s_spec, s_spec, s_spec,
                  w_spec, b_spec, w_spec, b_spec, w_spec, b_spec],
        out_specs=[o_spec, o_spec],
        out_shape=[
            jax.ShapeDtypeStruct((N_NODE, D), jnp.float32),
            jax.ShapeDtypeStruct((N_NODE, D), jnp.float32),
        ],
    )(Sf, Cf, Sc, Cc, Sb, Cb,
      Wf, bf.reshape(1, D), Wc, bc.reshape(1, D), Wb, bb.reshape(1, D))


def _pad_edges(edge_index):
    src = jnp.concatenate(
        [edge_index[0], jnp.zeros((E_PAD - E,), jnp.int32)])
    dst = jnp.concatenate(
        [edge_index[1], jnp.full((E_PAD - E,), DUMMY, jnp.int32)])
    return src.reshape(TOTC, CH), dst.reshape(TOTC, CH)


def kernel(feat_user, feat_item, W_follows, b_follows, W_clicks, b_clicks,
           W_bought, b_bought, edge_index_follows, edge_index_clicks,
           edge_index_bought):
    sf, df = _pad_edges(edge_index_follows)
    sc_, dc = _pad_edges(edge_index_clicks)
    sb, db = _pad_edges(edge_index_bought)
    Sf, Cf = _sc_segment_sum(feat_user, sf, df)
    Sc, Cc = _sc_segment_sum(feat_user, sc_, dc)
    Sb, Cb = _sc_segment_sum(feat_item, sb, db)
    h_user, h_item = _tc_combine(Sf, Cf, Sc, Cc, Sb, Cb,
                                 W_follows, b_follows, W_clicks, b_clicks,
                                 W_bought, b_bought)
    return (h_user, h_item)

# --- scband reference (transcript-rebuilt; emitter-appended) ---
"""Pipeline reference for scband-hetero-rgcnlayer-5927054869107 (READ-ONLY COPY).

The authoritative reference and input builder live on the scoring server;
editing this copy changes nothing except your own understanding.
"""

import jax, jax.numpy as jnp
import numpy as np

N_USER = 10000
N_ITEM = 10000
E = 320000
D_IN = 128
D_OUT = 128


def setup_inputs(seed: int = 0) -> dict:
    key = jax.random.key(seed)
    ks = jax.random.split(key, 11)
    feat_user = jax.random.normal(ks[0], (N_USER, D_IN), dtype=jnp.float32)
    feat_item = jax.random.normal(ks[1], (N_ITEM, D_IN), dtype=jnp.float32)
    # edge_index[0] = src node ids, edge_index[1] = dst node ids
    edge_index_follows = jax.random.randint(ks[2], (2, E), 0, N_USER, dtype=jnp.int32)  # user -> user
    edge_index_clicks = jax.random.randint(ks[3], (2, E), 0, N_USER, dtype=jnp.int32)   # user -> item (src < N_USER, dst < N_ITEM)
    edge_index_bought = jax.random.randint(ks[4], (2, E), 0, N_ITEM, dtype=jnp.int32)   # item -> user
    # per-etype Linear(in_size, out_size) weights, matching nn.Linear init scale
    bound = 1.0 / np.sqrt(D_IN)
    W_follows = jax.random.uniform(ks[5], (D_OUT, D_IN), dtype=jnp.float32, minval=-bound, maxval=bound)
    b_follows = jax.random.uniform(ks[6], (D_OUT,), dtype=jnp.float32, minval=-bound, maxval=bound)
    W_clicks = jax.random.uniform(ks[7], (D_OUT, D_IN), dtype=jnp.float32, minval=-bound, maxval=bound)
    b_clicks = jax.random.uniform(ks[8], (D_OUT,), dtype=jnp.float32, minval=-bound, maxval=bound)
    W_bought = jax.random.uniform(ks[9], (D_OUT, D_IN), dtype=jnp.float32, minval=-bound, maxval=bound)
    b_bought = jax.random.uniform(ks[10], (D_OUT,), dtype=jnp.float32, minval=-bound, maxval=bound)
    return {
        "feat_user": feat_user,
        "feat_item": feat_item,
        "W_follows": W_follows, "b_follows": b_follows,
        "W_clicks": W_clicks, "b_clicks": b_clicks,
        "W_bought": W_bought, "b_bought": b_bought,
        "edge_index_follows": edge_index_follows,
        "edge_index_clicks": edge_index_clicks,
        "edge_index_bought": edge_index_bought,
    }


def _etype_mean(feat_src, W, b, edge_index, n_dst):
    # Wh = Linear(feat_src); message fn = copy_u(Wh); reduce fn = mean over incoming edges
    Wh = feat_src @ W.T + b
    src = edge_index[0]
    dst = edge_index[1]
    msg = jnp.take(Wh, src, axis=0)
    s = jax.ops.segment_sum(msg, dst, num_segments=n_dst)
    cnt = jax.ops.segment_sum(jnp.ones((msg.shape[0],), dtype=msg.dtype), dst, num_segments=n_dst)
    cnt = cnt[:, None]
    # nodes with no incoming edges get 0 (DGL leaves them zero-initialized)
    return jnp.where(cnt > 0, s / jnp.maximum(cnt, 1.0), 0.0)


def reference(feat_user, feat_item,
              W_follows, b_follows, W_clicks, b_clicks, W_bought, b_bought,
              edge_index_follows, edge_index_clicks, edge_index_bought):
    # canonical etypes: ('user','follows','user'), ('user','clicks','item'), ('item','bought','user')
    h_follows = _etype_mean(feat_user, W_follows, b_follows, edge_index_follows, N_USER)
    h_clicks = _etype_mean(feat_user, W_clicks, b_clicks, edge_index_clicks, N_ITEM)
    h_bought = _etype_mean(feat_item, W_bought, b_bought, edge_index_bought, N_USER)
    # multi_update_all cross-type reducer = 'sum'
    h_user = h_follows + h_bought
    h_item = h_clicks
    return (h_user, h_item)

if __name__ == "__main__":
    import jax
    _d = setup_inputs()
    print(jax.jit(kernel)(*tuple(_d.values())))

</pallas_src>

<mosaic_0001>
#map = affine_map<(d0, d1) -> (0, 0)>
#map1 = affine_map<(d0, d1) -> (0, 0, 0)>
module attributes {stable_mosaic.version = 14 : i64} {
  func.func @_sc_body(%arg0: i32, %arg1: i32, %arg2: memref<10000x128xf32, #tpu.memory_space<hbm>>, %arg3: memref<2560x128xi32, #tpu.memory_space<hbm>>, %arg4: memref<2560x128xi32, #tpu.memory_space<hbm>>, %arg5: memref<632x128xf32, #tpu.memory_space<hbm>>, %arg6: memref<128x128xf32, #tpu.memory_space<hbm>>, %arg7: memref<2x10112x128xf32, #tpu.memory_space<hbm>>, %arg8: memref<2x10112x128xf32, #tpu.memory_space<hbm>>, %arg9: memref<8x128xi32, #tpu.memory_space<vmem>>, %arg10: memref<8x128xi32, #tpu.memory_space<vmem>>, %arg11: memref<128x128xf32, #tpu.memory_space<vmem>>, %arg12: memref<128x128xf32, #tpu.memory_space<vmem>>, %arg13: memref<10112x128xf32, #tpu.memory_space<vmem_shared>>, %arg14: memref<!tpu.dma_semaphore, #tpu.memory_space<semaphore_mem>>, %arg15: memref<!tpu.dma_semaphore, #tpu.memory_space<semaphore_mem>>, %arg16: memref<!tpu.dma_semaphore, #tpu.memory_space<semaphore_mem>>) attributes {dimension_semantics = [#tpu.dimension_semantics<core_parallel>, #tpu.dimension_semantics<subcore_parallel>], iteration_bounds = array<i64: 2, 16>, scalar_prefetch = 0 : i64, scratch_operands = 8 : i64, tpu.core_type = #tpu.core_type<sc_vector_subcore>, window_params = [{transform_indices = #map}, {transform_indices = #map}, {transform_indices = #map}, {transform_indices = #map}, {transform_indices = #map}, {transform_indices = #map1}, {transform_indices = #map1}]} {
    %mul3A = arith.constant 632 : i32
    %mul3A_0 = arith.muli %arg1, %mul3A : i32
    %eq3A = arith.constant 1 : i32
    %eq3A_1 = arith.cmpi eq, %arg0, %eq3A : i32
    %jit3A = arith.constant 16 : i32
    %jit3A_2 = arith.constant 4 : i32
    %select_n3A = arith.select %eq3A_1, %jit3A, %jit3A_2 : i32
    %eq3A_3 = arith.constant 1 : i32
    %eq3A_4 = arith.cmpi eq, %arg0, %eq3A_3 : i32
    %mul3A_5 = arith.constant 128 : i32
    %mul3A_6 = arith.muli %arg1, %mul3A_5 : i32
    %mul3A_7 = arith.constant 32 : i32
    %mul3A_8 = arith.muli %arg1, %mul3A_7 : i32
    %add3A = arith.constant 2048 : i32
    %add3A_9 = arith.addi %add3A, %mul3A_8 : i32
    %select_n3A_10 = arith.select %eq3A_4, %mul3A_6, %add3A_9 : i32
    "tpu.region"() ({
      %run_scoped3A = tpu.sem_alloc : memref<!tpu.dma_semaphore, #tpu.memory_space<semaphore_mem>>
      %dma_start3A = arith.constant 0 : i32
      %dma_start3A_34 = tpu.memref_slice %arg13[%mul3A_0, %dma_start3A] : memref<10112x128xf32, #tpu.memory_space<vmem_shared>> -> memref<632x128xf32, #tpu.memory_space<vmem_shared>>
      tpu.enqueue_dma source(%arg5 : memref<632x128xf32, #tpu.memory_space<hbm>>) target(%dma_start3A_34 : memref<632x128xf32, #tpu.memory_space<vmem_shared>>) target_semaphore(%run_scoped3A : memref<!tpu.dma_semaphore, #tpu.memory_space<semaphore_mem>>)
      %dma_wait3A = arith.constant 0 : i32
      %dma_wait3A_35 = tpu.memref_slice %arg13[%mul3A_0, %dma_wait3A] : memref<10112x128xf32, #tpu.memory_space<vmem_shared>> -> memref<632x128xf32, #tpu.memory_space<vmem_shared>>
      tpu.wait_dma2 semaphore(%run_scoped3A : memref<!tpu.dma_semaphore, #tpu.memory_space<semaphore_mem>>) src(%arg5 : memref<632x128xf32, #tpu.memory_space<hbm>>) dst(%dma_wait3A_35 : memref<632x128xf32, #tpu.memory_space<vmem_shared>>)
      tpu.yield
    }) : () -> ()
    %barrier3A = arith.constant 0 : index
    tpu.barrier barrier_id(%barrier3A)
    %while3A = arith.constant 0 : i32
    %while3A_11 = arith.constant 0 : i32
    %while3A_12 = arith.subi %select_n3A, %while3A_11 : i32
    %while3A_13 = arith.addi %while3A_11, %while3A_12 : i32
    %while3A_14 = arith.constant 1 : i32
    %while3A_15 = arith.divsi %while3A_12, %while3A_14 : i32
    %while3A_16 = arith.muli %while3A_15, %while3A_14 : i32
    %while3A_17 = arith.addi %while3A_11, %while3A_16 : i32
    %while3A_18 = arith.constant 1 : i32
    scf.for %while3A_34 = %while3A_11 to %while3A_17 step %while3A_18  : i32 {
      %mul3A_35 = arith.constant 8 : i32
      %mul3A_36 = arith.muli %while3A_34, %mul3A_35 : i32
      %add3A_37 = arith.addi %select_n3A_10, %mul3A_36 : i32
      "tpu.region"() ({
        %run_scoped3A_155 = tpu.sem_alloc : memref<!tpu.dma_semaphore, #tpu.memory_space<semaphore_mem>>
        %dma_start3A_156 = arith.constant 0 : i32
        %dma_start3A_157 = tpu.memref_slice %arg3[%add3A_37, %dma_start3A_156] : memref<2560x128xi32, #tpu.memory_space<hbm>> -> memref<8x128xi32, #tpu.memory_space<hbm>>
        %dma_start3A_158 = arith.constant 0 : i32
        %dma_start3A_159 = tpu.memref_slice %arg3[%add3A_37, %dma_start3A_158] : memref<2560x128xi32, #tpu.memory_space<hbm>> -> memref<8x128xi32, #tpu.memory_space<hbm>>
        tpu.enqueue_dma source(%dma_start3A_159 : memref<8x128xi32, #tpu.memory_space<hbm>>) target(%arg9 : memref<8x128xi32, #tpu.memory_space<vmem>>) target_semaphore(%run_scoped3A_155 : memref<!tpu.dma_semaphore, #tpu.memory_space<semaphore_mem>>)
        %dma_wait3A_160 = arith.constant 0 : i32
        %dma_wait3A_161 = tpu.memref_slice %arg3[%add3A_37, %dma_wait3A_160] : memref<2560x128xi32, #tpu.memory_space<hbm>> -> memref<8x128xi32, #tpu.memory_space<hbm>>
        %dma_wait3A_162 = arith.constant 0 : i32
        %dma_wait3A_163 = tpu.memref_slice %arg3[%add3A_37, %dma_wait3A_162] : memref<2560x128xi32, #tpu.memory_space<hbm>> -> memref<8x128xi32, #tpu.memory_space<hbm>>
        tpu.wait_dma2 semaphore(%run_scoped3A_155 : memref<!tpu.dma_semaphore, #tpu.memory_space<semaphore_mem>>) src(%dma_wait3A_163 : memref<8x128xi32, #tpu.memory_space<hbm>>) dst(%arg9 : memref<8x128xi32, #tpu.memory_space<vmem>>)
        tpu.yield
      }) : () -> ()
      "tpu.region"() ({
        %run_scoped3A_155 = tpu.sem_alloc : memref<!tpu.dma_semaphore, #tpu.memory_space<semaphore_mem>>
        %dma_start3A_156 = arith.constant 0 : i32
        %dma_start3A_157 = tpu.memref_slice %arg4[%add3A_37, %dma_start3A_156] : memref<2560x128xi32, #tpu.memory_space<hbm>> -> memref<8x128xi32, #tpu.memory_space<hbm>>
        %dma_start3A_158 = arith.constant 0 : i32
        %dma_start3A_159 = tpu.memref_slice %arg4[%add3A_37, %dma_start3A_158] : memref<2560x128xi32, #tpu.memory_space<hbm>> -> memref<8x128xi32, #tpu.memory_space<hbm>>
        tpu.enqueue_dma source(%dma_start3A_159 : memref<8x128xi32, #tpu.memory_space<hbm>>) target(%arg10 : memref<8x128xi32, #tpu.memory_space<vmem>>) target_semaphore(%run_scoped3A_155 : memref<!tpu.dma_semaphore, #tpu.memory_space<semaphore_mem>>)
        %dma_wait3A_160 = arith.constant 0 : i32
        %dma_wait3A_161 = tpu.memref_slice %arg4[%add3A_37, %dma_wait3A_160] : memref<2560x128xi32, #tpu.memory_space<hbm>> -> memref<8x128xi32, #tpu.memory_space<hbm>>
        %dma_wait3A_162 = arith.constant 0 : i32
        %dma_wait3A_163 = tpu.memref_slice %arg4[%add3A_37, %dma_wait3A_162] : memref<2560x128xi32, #tpu.memory_space<hbm>> -> memref<8x128xi32, #tpu.memory_space<hbm>>
        tpu.wait_dma2 semaphore(%run_scoped3A_155 : memref<!tpu.dma_semaphore, #tpu.memory_space<semaphore_mem>>) src(%dma_wait3A_163 : memref<8x128xi32, #tpu.memory_space<hbm>>) dst(%arg10 : memref<8x128xi32, #tpu.memory_space<vmem>>)
        tpu.yield
      }) : () -> ()
      %dma_start3A = arith.constant 0 : i32
      %dma_start3A_38 = arith.constant 0 : i32
      %dma_start3A_39 = tpu.memref_slice %arg9[%dma_start3A, %dma_start3A_38] : memref<8x128xi32, #tpu.memory_space<vmem>> -> memref<1x128xi32, #tpu.memory_space<vmem>>
      %dma_start3A_40 = tpu.memref_squeeze %dma_start3A_39 : memref<1x128xi32, #tpu.memory_space<vmem>> -> memref<128xi32, #tpu.memory_space<vmem>>
      %dma_start3A_41 = arith.constant 0 : i32
      %dma_start3A_42 = arith.constant 0 : i32
      %dma_start3A_43 = tpu.memref_slice %arg2[%dma_start3A_41, %dma_start3A_42] : memref<10000x128xf32, #tpu.memory_space<hbm>> -> memref<10000x128xf32, #tpu.memory_space<hbm>>
      tpu.enqueue_indirect_dma source(%dma_start3A_43 : memref<10000x128xf32, #tpu.memory_space<hbm>>) target(%arg11 : memref<128x128xf32, #tpu.memory_space<vmem>>) offsets(%dma_start3A_40 : memref<128xi32, #tpu.memory_space<vmem>>) semaphore(%arg14 : memref<!tpu.dma_semaphore, #tpu.memory_space<semaphore_mem>>)
      %dma_start3A_44 = arith.constant 1 : i32
      %dma_start3A_45 = arith.constant 0 : i32
      %dma_start3A_46 = tpu.memref_slice %arg9[%dma_start3A_44, %dma_start3A_45] : memref<8x128xi32, #tpu.memory_space<vmem>> -> memref<1x128xi32, #tpu.memory_space<vmem>>
      %dma_start3A_47 = tpu.memref_squeeze %dma_start3A_46 : memref<1x128xi32, #tpu.memory_space<vmem>> -> memref<128xi32, #tpu.memory_space<vmem>>
      %dma_start3A_48 = arith.constant 0 : i32
      %dma_start3A_49 = arith.constant 0 : i32
      %dma_start3A_50 = tpu.memref_slice %arg2[%dma_start3A_48, %dma_start3A_49] : memref<10000x128xf32, #tpu.memory_space<hbm>> -> memref<10000x128xf32, #tpu.memory_space<hbm>>
      tpu.enqueue_indirect_dma source(%dma_start3A_50 : memref<10000x128xf32, #tpu.memory_space<hbm>>) target(%arg12 : memref<128x128xf32, #tpu.memory_space<vmem>>) offsets(%dma_start3A_47 : memref<128xi32, #tpu.memory_space<vmem>>) semaphore(%arg15 : memref<!tpu.dma_semaphore, #tpu.memory_space<semaphore_mem>>)
      %dma_wait3A = arith.constant 0 : i32
      %dma_wait3A_51 = arith.constant 0 : i32
      %dma_wait3A_52 = tpu.memref_slice %arg9[%dma_wait3A, %dma_wait3A_51] : memref<8x128xi32, #tpu.memory_space<vmem>> -> memref<1x128xi32, #tpu.memory_space<vmem>>
      %dma_wait3A_53 = tpu.memref_squeeze %dma_wait3A_52 : memref<1x128xi32, #tpu.memory_space<vmem>> -> memref<128xi32, #tpu.memory_space<vmem>>
      %dma_wait3A_54 = arith.constant 0 : i32
      %dma_wait3A_55 = arith.constant 0 : i32
      %dma_wait3A_56 = tpu.memref_slice %arg2[%dma_wait3A_54, %dma_wait3A_55] : memref<10000x128xf32, #tpu.memory_space<hbm>> -> memref<10000x128xf32, #tpu.memory_space<hbm>>
      tpu.wait_indirect_dma semaphore(%arg14 : memref<!tpu.dma_semaphore, #tpu.memory_space<semaphore_mem>>) src(%dma_wait3A_56 : memref<10000x128xf32, #tpu.memory_space<hbm>>) dst(%arg11 : memref<128x128xf32, #tpu.memory_space<vmem>>)
      %run_scoped3A = arith.constant 0 : i32
      "tpu.region"() ({
        %run_scoped3A_155 = tpu.sem_alloc : memref<!tpu.dma_semaphore, #tpu.memory_space<semaphore_mem>>
        %dma_start3A_156 = arith.constant 0 : i32
        %dma_start3A_157 = tpu.memref_slice %arg10[%run_scoped3A, %dma_start3A_156] : memref<8x128xi32, #tpu.memory_space<vmem>> -> memref<1x128xi32, #tpu.memory_space<vmem>>
        %dma_start3A_158 = tpu.memref_squeeze %dma_start3A_157 : memref<1x128xi32, #tpu.memory_space<vmem>> -> memref<128xi32, #tpu.memory_space<vmem>>
        %dma_start3A_159 = arith.constant 0 : i32
        %dma_start3A_160 = arith.constant 0 : i32
        %dma_start3A_161 = tpu.memref_slice %arg13[%dma_start3A_159, %dma_start3A_160] : memref<10112x128xf32, #tpu.memory_space<vmem_shared>> -> memref<10112x128xf32, #tpu.memory_space<vmem_shared>>
        tpu.enqueue_indirect_dma source(%arg11 : memref<128x128xf32, #tpu.memory_space<vmem>>) target(%dma_start3A_161 : memref<10112x128xf32, #tpu.memory_space<vmem_shared>>) offsets(%dma_start3A_158 : memref<128xi32, #tpu.memory_space<vmem>>) semaphore(%run_scoped3A_155 : memref<!tpu.dma_semaphore, #tpu.memory_space<semaphore_mem>>) {add = true}
        %dma_wait3A_162 = arith.constant 0 : i32
        %dma_wait3A_163 = tpu.memref_slice %arg10[%run_scoped3A, %dma_wait3A_162] : memref<8x128xi32, #tpu.memory_space<vmem>> -> memref<1x128xi32, #tpu.memory_space<vmem>>
        %dma_wait3A_164 = tpu.memref_squeeze %dma_wait3A_163 : memref<1x128xi32, #tpu.memory_space<vmem>> -> memref<128xi32, #tpu.memory_space<vmem>>
        %dma_wait3A_165 = arith.constant 0 : i32
        %dma_wait3A_166 = arith.constant 0 : i32
        %dma_wait3A_167 = tpu.memref_slice %arg13[%dma_wait3A_165, %dma_wait3A_166] : memref<10112x128xf32, #tpu.memory_space<vmem_shared>> -> memref<10112x128xf32, #tpu.memory_space<vmem_shared>>
        tpu.wait_indirect_dma semaphore(%run_scoped3A_155 : memref<!tpu.dma_semaphore, #tpu.memory_space<semaphore_mem>>) src(%arg11 : memref<128x128xf32, #tpu.memory_space<vmem>>) dst(%dma_wait3A_167 : memref<10112x128xf32, #tpu.memory_space<vmem_shared>>)
        tpu.yield
      }) : () -> ()
      %dma_start3A_57 = arith.constant 2 : i32
      %dma_start3A_58 = arith.constant 0 : i32
      %dma_start3A_59 = tpu.memref_slice %arg9[%dma_start3A_57, %dma_start3A_58] : memref<8x128xi32, #tpu.memory_space<vmem>> -> memref<1x128xi32, #tpu.memory_space<vmem>>
      %dma_start3A_60 = tpu.memref_squeeze %dma_start3A_59 : memref<1x128xi32, #tpu.memory_space<vmem>> -> memref<128xi32, #tpu.memory_space<vmem>>
      %dma_start3A_61 = arith.constant 0 : i32
      %dma_start3A_62 = arith.constant 0 : i32
      %dma_start3A_63 = tpu.memref_slice %arg2[%dma_start3A_61, %dma_start3A_62] : memref<10000x128xf32, #tpu.memory_space<hbm>> -> memref<10000x128xf32, #tpu.memory_space<hbm>>
      tpu.enqueue_indirect_dma source(%dma_start3A_63 : memref<10000x128xf32, #tpu.memory_space<hbm>>) target(%arg11 : memref<128x128xf32, #tpu.memory_space<vmem>>) offsets(%dma_start3A_60 : memref<128xi32, #tpu.memory_space<vmem>>) semaphore(%arg14 : memref<!tpu.dma_semaphore, #tpu.memory_space<semaphore_mem>>)
      %dma_wait3A_64 = arith.constant 1 : i32
      %dma_wait3A_65 = arith.constant 0 : i32
      %dma_wait3A_66 = tpu.memref_slice %arg9[%dma_wait3A_64, %dma_wait3A_65] : memref<8x128xi32, #tpu.memory_space<vmem>> -> memref<1x128xi32, #tpu.memory_space<vmem>>
      %dma_wait3A_67 = tpu.memref_squeeze %dma_wait3A_66 : memref<1x128xi32, #tpu.memory_space<vmem>> -> memref<128xi32, #tpu.memory_space<vmem>>
      %dma_wait3A_68 = arith.constant 0 : i32
      %dma_wait3A_69 = arith.constant 0 : i32
      %dma_wait3A_70 = tpu.memref_slice %arg2[%dma_wait3A_68, %dma_wait3A_69] : memref<10000x128xf32, #tpu.memory_space<hbm>> -> memref<10000x128xf32, #tpu.memory_space<hbm>>
      tpu.wait_indirect_dma semaphore(%arg15 : memref<!tpu.dma_semaphore, #tpu.memory_space<semaphore_mem>>) src(%dma_wait3A_70 : memref<10000x128xf32, #tpu.memory_space<hbm>>) dst(%arg12 : memref<128x128xf32, #tpu.memory_space<vmem>>)
      %run_scoped3A_71 = arith.constant 1 : i32
      "tpu.region"() ({
        %run_scoped3A_155 = tpu.sem_alloc : memref<!tpu.dma_semaphore, #tpu.memory_space<semaphore_mem>>
        %dma_start3A_156 = arith.constant 0 : i32
        %dma_start3A_157 = tpu.memref_slice %arg10[%run_scoped3A_71, %dma_start3A_156] : memref<8x128xi32, #tpu.memory_space<vmem>> -> memref<1x128xi32, #tpu.memory_space<vmem>>
        %dma_start3A_158 = tpu.memref_squeeze %dma_start3A_157 : memref<1x128xi32, #tpu.memory_space<vmem>> -> memref<128xi32, #tpu.memory_space<vmem>>
        %dma_start3A_159 = arith.constant 0 : i32
        %dma_start3A_160 = arith.constant 0 : i32
        %dma_start3A_161 = tpu.memref_slice %arg13[%dma_start3A_159, %dma_start3A_160] : memref<10112x128xf32, #tpu.memory_space<vmem_shared>> -> memref<10112x128xf32, #tpu.memory_space<vmem_shared>>
        tpu.enqueue_indirect_dma source(%arg12 : memref<128x128xf32, #tpu.memory_space<vmem>>) target(%dma_start3A_161 : memref<10112x128xf32, #tpu.memory_space<vmem_shared>>) offsets(%dma_start3A_158 : memref<128xi32, #tpu.memory_space<vmem>>) semaphore(%run_scoped3A_155 : memref<!tpu.dma_semaphore, #tpu.memory_space<semaphore_mem>>) {add = true}
        %dma_wait3A_162 = arith.constant 0 : i32
        %dma_wait3A_163 = tpu.memref_slice %arg10[%run_scoped3A_71, %dma_wait3A_162] : memref<8x128xi32, #tpu.memory_space<vmem>> -> memref<1x128xi32, #tpu.memory_space<vmem>>
        %dma_wait3A_164 = tpu.memref_squeeze %dma_wait3A_163 : memref<1x128xi32, #tpu.memory_space<vmem>> -> memref<128xi32, #tpu.memory_space<vmem>>
        %dma_wait3A_165 = arith.constant 0 : i32
        %dma_wait3A_166 = arith.constant 0 : i32
        %dma_wait3A_167 = tpu.memref_slice %arg13[%dma_wait3A_165, %dma_wait3A_166] : memref<10112x128xf32, #tpu.memory_space<vmem_shared>> -> memref<10112x128xf32, #tpu.memory_space<vmem_shared>>
        tpu.wait_indirect_dma semaphore(%run_scoped3A_155 : memref<!tpu.dma_semaphore, #tpu.memory_space<semaphore_mem>>) src(%arg12 : memref<128x128xf32, #tpu.memory_space<vmem>>) dst(%dma_wait3A_167 : memref<10112x128xf32, #tpu.memory_space<vmem_shared>>)
        tpu.yield
      }) : () -> ()
      %dma_start3A_72 = arith.constant 3 : i32
      %dma_start3A_73 = arith.constant 0 : i32
      %dma_start3A_74 = tpu.memref_slice %arg9[%dma_start3A_72, %dma_start3A_73] : memref<8x128xi32, #tpu.memory_space<vmem>> -> memref<1x128xi32, #tpu.memory_space<vmem>>
      %dma_start3A_75 = tpu.memref_squeeze %dma_start3A_74 : memref<1x128xi32, #tpu.memory_space<vmem>> -> memref<128xi32, #tpu.memory_space<vmem>>
      %dma_start3A_76 = arith.constant 0 : i32
      %dma_start3A_77 = arith.constant 0 : i32
      %dma_start3A_78 = tpu.memref_slice %arg2[%dma_start3A_76, %dma_start3A_77] : memref<10000x128xf32, #tpu.memory_space<hbm>> -> memref<10000x128xf32, #tpu.memory_space<hbm>>
      tpu.enqueue_indirect_dma source(%dma_start3A_78 : memref<10000x128xf32, #tpu.memory_space<hbm>>) target(%arg12 : memref<128x128xf32, #tpu.memory_space<vmem>>) offsets(%dma_start3A_75 : memref<128xi32, #tpu.memory_space<vmem>>) semaphore(%arg15 : memref<!tpu.dma_semaphore, #tpu.memory_space<semaphore_mem>>)
      %dma_wait3A_79 = arith.constant 2 : i32
      %dma_wait3A_80 = arith.constant 0 : i32
      %dma_wait3A_81 = tpu.memref_slice %arg9[%dma_wait3A_79, %dma_wait3A_80] : memref<8x128xi32, #tpu.memory_space<vmem>> -> memref<1x128xi32, #tpu.memory_space<vmem>>
      %dma_wait3A_82 = tpu.memref_squeeze %dma_wait3A_81 : memref<1x128xi32, #tpu.memory_space<vmem>> -> memref<128xi32, #tpu.memory_space<vmem>>
      %dma_wait3A_83 = arith.constant 0 : i32
      %dma_wait3A_84 = arith.constant 0 : i32
      %dma_wait3A_85 = tpu.memref_slice %arg2[%dma_wait3A_83, %dma_wait3A_84] : memref<10000x128xf32, #tpu.memory_space<hbm>> -> memref<10000x128xf32, #tpu.memory_space<hbm>>
      tpu.wait_indirect_dma semaphore(%arg14 : memref<!tpu.dma_semaphore, #tpu.memory_space<semaphore_mem>>) src(%dma_wait3A_85 : memref<10000x128xf32, #tpu.memory_space<hbm>>) dst(%arg11 : memref<128x128xf32, #tpu.memory_space<vmem>>)
      %run_scoped3A_86 = arith.constant 2 : i32
      "tpu.region"() ({
        %run_scoped3A_155 = tpu.sem_alloc : memref<!tpu.dma_semaphore, #tpu.memory_space<semaphore_mem>>
        %dma_start3A_156 = arith.constant 0 : i32
        %dma_start3A_157 = tpu.memref_slice %arg10[%run_scoped3A_86, %dma_start3A_156] : memref<8x128xi32, #tpu.memory_space<vmem>> -> memref<1x128xi32, #tpu.memory_space<vmem>>
        %dma_start3A_158 = tpu.memref_squeeze %dma_start3A_157 : memref<1x128xi32, #tpu.memory_space<vmem>> -> memref<128xi32, #tpu.memory_space<vmem>>
        %dma_start3A_159 = arith.constant 0 : i32
        %dma_start3A_160 = arith.constant 0 : i32
        %dma_start3A_161 = tpu.memref_slice %arg13[%dma_start3A_159, %dma_start3A_160] : memref<10112x128xf32, #tpu.memory_space<vmem_shared>> -> memref<10112x128xf32, #tpu.memory_space<vmem_shared>>
        tpu.enqueue_indirect_dma source(%arg11 : memref<128x128xf32, #tpu.memory_space<vmem>>) target(%dma_start3A_161 : memref<10112x128xf32, #tpu.memory_space<vmem_shared>>) offsets(%dma_start3A_158 : memref<128xi32, #tpu.memory_space<vmem>>) semaphore(%run_scoped3A_155 : memref<!tpu.dma_semaphore, #tpu.memory_space<semaphore_mem>>) {add = true}
        %dma_wait3A_162 = arith.constant 0 : i32
        %dma_wait3A_163 = tpu.memref_slice %arg10[%run_scoped3A_86, %dma_wait3A_162] : memref<8x128xi32, #tpu.memory_space<vmem>> -> memref<1x128xi32, #tpu.memory_space<vmem>>
        %dma_wait3A_164 = tpu.memref_squeeze %dma_wait3A_163 : memref<1x128xi32, #tpu.memory_space<vmem>> -> memref<128xi32, #tpu.memory_space<vmem>>
        %dma_wait3A_165 = arith.constant 0 : i32
        %dma_wait3A_166 = arith.constant 0 : i32
        %dma_wait3A_167 = tpu.memref_slice %arg13[%dma_wait3A_165, %dma_wait3A_166] : memref<10112x128xf32, #tpu.memory_space<vmem_shared>> -> memref<10112x128xf32, #tpu.memory_space<vmem_shared>>
        tpu.wait_indirect_dma semaphore(%run_scoped3A_155 : memref<!tpu.dma_semaphore, #tpu.memory_space<semaphore_mem>>) src(%arg11 : memref<128x128xf32, #tpu.memory_space<vmem>>) dst(%dma_wait3A_167 : memref<10112x128xf32, #tpu.memory_space<vmem_shared>>)
        tpu.yield
      }) : () -> ()
      %dma_start3A_87 = arith.constant 4 : i32
      %dma_start3A_88 = arith.constant 0 : i32
      %dma_start3A_89 = tpu.memref_slice %arg9[%dma_start3A_87, %dma_start3A_88] : memref<8x128xi32, #tpu.memory_space<vmem>> -> memref<1x128xi32, #tpu.memory_space<vmem>>
      %dma_start3A_90 = tpu.memref_squeeze %dma_start3A_89 : memref<1x128xi32, #tpu.memory_space<vmem>> -> memref<128xi32, #tpu.memory_space<vmem>>
      %dma_start3A_91 = arith.constant 0 : i32
      %dma_start3A_92 = arith.constant 0 : i32
      %dma_start3A_93 = tpu.memref_slice %arg2[%dma_start3A_91, %dma_start3A_92] : memref<10000x128xf32, #tpu.memory_space<hbm>> -> memref<10000x128xf32, #tpu.memory_space<hbm>>
      tpu.enqueue_indirect_dma source(%dma_start3A_93 : memref<10000x128xf32, #tpu.memory_space<hbm>>) target(%arg11 : memref<128x128xf32, #tpu.memory_space<vmem>>) offsets(%dma_start3A_90 : memref<128xi32, #tpu.memory_space<vmem>>) semaphore(%arg14 : memref<!tpu.dma_semaphore, #tpu.memory_space<semaphore_mem>>)
      %dma_wait3A_94 = arith.constant 3 : i32
      %dma_wait3A_95 = arith.constant 0 : i32
      %dma_wait3A_96 = tpu.memref_slice %arg9[%dma_wait3A_94, %dma_wait3A_95] : memref<8x128xi32, #tpu.memory_space<vmem>> -> memref<1x128xi32, #tpu.memory_space<vmem>>
      %dma_wait3A_97 = tpu.memref_squeeze %dma_wait3A_96 : memref<1x128xi32, #tpu.memory_space<vmem>> -> memref<128xi32, #tpu.memory_space<vmem>>
      %dma_wait3A_98 = arith.constant 0 : i32
      %dma_wait3A_99 = arith.constant 0 : i32
      %dma_wait3A_100 = tpu.memref_slice %arg2[%dma_wait3A_98, %dma_wait3A_99] : memref<10000x128xf32, #tpu.memory_space<hbm>> -> memref<10000x128xf32, #tpu.memory_space<hbm>>
      tpu.wait_indirect_dma semaphore(%arg15 : memref<!tpu.dma_semaphore, #tpu.memory_space<semaphore_mem>>) src(%dma_wait3A_100 : memref<10000x128xf32, #tpu.memory_space<hbm>>) dst(%arg12 : memref<128x128xf32, #tpu.memory_space<vmem>>)
      %run_scoped3A_101 = arith.constant 3 : i32
      "tpu.region"() ({
        %run_scoped3A_155 = tpu.sem_alloc : memref<!tpu.dma_semaphore, #tpu.memory_space<semaphore_mem>>
        %dma_start3A_156 = arith.constant 0 : i32
        %dma_start3A_157 = tpu.memref_slice %arg10[%run_scoped3A_101, %dma_start3A_156] : memref<8x128xi32, #tpu.memory_space<vmem>> -> memref<1x128xi32, #tpu.memory_space<vmem>>
        %dma_start3A_158 = tpu.memref_squeeze %dma_start3A_157 : memref<1x128xi32, #tpu.memory_space<vmem>> -> memref<128xi32, #tpu.memory_space<vmem>>
        %dma_start3A_159 = arith.constant 0 : i32
        %dma_start3A_160 = arith.constant 0 : i32
        %dma_start3A_161 = tpu.memref_slice %arg13[%dma_start3A_159, %dma_start3A_160] : memref<10112x128xf32, #tpu.memory_space<vmem_shared>> -> memref<10112x128xf32, #tpu.memory_space<vmem_shared>>
        tpu.enqueue_indirect_dma source(%arg12 : memref<128x128xf32, #tpu.memory_space<vmem>>) target(%dma_start3A_161 : memref<10112x128xf32, #tpu.memory_space<vmem_shared>>) offsets(%dma_start3A_158 : memref<128xi32, #tpu.memory_space<vmem>>) semaphore(%run_scoped3A_155 : memref<!tpu.dma_semaphore, #tpu.memory_space<semaphore_mem>>) {add = true}
        %dma_wait3A_162 = arith.constant 0 : i32
        %dma_wait3A_163 = tpu.memref_slice %arg10[%run_scoped3A_101, %dma_wait3A_162] : memref<8x128xi32, #tpu.memory_space<vmem>> -> memref<1x128xi32, #tpu.memory_space<vmem>>
        %dma_wait3A_164 = tpu.memref_squeeze %dma_wait3A_163 : memref<1x128xi32, #tpu.memory_space<vmem>> -> memref<128xi32, #tpu.memory_space<vmem>>
        %dma_wait3A_165 = arith.constant 0 : i32
        %dma_wait3A_166 = arith.constant 0 : i32
        %dma_wait3A_167 = tpu.memref_slice %arg13[%dma_wait3A_165, %dma_wait3A_166] : memref<10112x128xf32, #tpu.memory_space<vmem_shared>> -> memref<10112x128xf32, #tpu.memory_space<vmem_shared>>
        tpu.wait_indirect_dma semaphore(%run_scoped3A_155 : memref<!tpu.dma_semaphore, #tpu.memory_space<semaphore_mem>>) src(%arg12 : memref<128x128xf32, #tpu.memory_space<vmem>>) dst(%dma_wait3A_167 : memref<10112x128xf32, #tpu.memory_space<vmem_shared>>)
        tpu.yield
      }) : () -> ()
      %dma_start3A_102 = arith.constant 5 : i32
      %dma_start3A_103 = arith.constant 0 : i32
      %dma_start3A_104 = tpu.memref_slice %arg9[%dma_start3A_102, %dma_start3A_103] : memref<8x128xi32, #tpu.memory_space<vmem>> -> memref<1x128xi32, #tpu.memory_space<vmem>>
      %dma_start3A_105 = tpu.memref_squeeze %dma_start3A_104 : memref<1x128xi32, #tpu.memory_space<vmem>> -> memref<128xi32, #tpu.memory_space<vmem>>
      %dma_start3A_106 = arith.constant 0 : i32
      %dma_start3A_107 = arith.constant 0 : i32
      %dma_start3A_108 = tpu.memref_slice %arg2[%dma_start3A_106, %dma_start3A_107] : memref<10000x128xf32, #tpu.memory_space<hbm>> -> memref<10000x128xf32, #tpu.memory_space<hbm>>
      tpu.enqueue_indirect_dma source(%dma_start3A_108 : memref<10000x128xf32, #tpu.memory_space<hbm>>) target(%arg12 : memref<128x128xf32, #tpu.memory_space<vmem>>) offsets(%dma_start3A_105 : memref<128xi32, #tpu.memory_space<vmem>>) semaphore(%arg15 : memref<!tpu.dma_semaphore, #tpu.memory_space<semaphore_mem>>)
      %dma_wait3A_109 = arith.constant 4 : i32
      %dma_wait3A_110 = arith.constant 0 : i32
      %dma_wait3A_111 = tpu.memref_slice %arg9[%dma_wait3A_109, %dma_wait3A_110] : memref<8x128xi32, #tpu.memory_space<vmem>> -> memref<1x128xi32, #tpu.memory_space<vmem>>
      %dma_wait3A_112 = tpu.memref_squeeze %dma_wait3A_111 : memref<1x128xi32, #tpu.memory_space<vmem>> -> memref<128xi32, #tpu.memory_space<vmem>>
      %dma_wait3A_113 = arith.constant 0 : i32
      %dma_wait3A_114 = arith.constant 0 : i32
      %dma_wait3A_115 = tpu.memref_slice %arg2[%dma_wait3A_113, %dma_wait3A_114] : memref<10000x128xf32, #tpu.memory_space<hbm>> -> memref<10000x128xf32, #tpu.memory_space<hbm>>
      tpu.wait_indirect_dma semaphore(%arg14 : memref<!tpu.dma_semaphore, #tpu.memory_space<semaphore_mem>>) src(%dma_wait3A_115 : memref<10000x128xf32, #tpu.memory_space<hbm>>) dst(%arg11 : memref<128x128xf32, #tpu.memory_space<vmem>>)
      %run_scoped3A_116 = arith.constant 4 : i32
      "tpu.region"() ({
        %run_scoped3A_155 = tpu.sem_alloc : memref<!tpu.dma_semaphore, #tpu.memory_space<semaphore_mem>>
        %dma_start3A_156 = arith.constant 0 : i32
        %dma_start3A_157 = tpu.memref_slice %arg10[%run_scoped3A_116, %dma_start3A_156] : memref<8x128xi32, #tpu.memory_space<vmem>> -> memref<1x128xi32, #tpu.memory_space<vmem>>
        %dma_start3A_158 = tpu.memref_squeeze %dma_start3A_157 : memref<1x128xi32, #tpu.memory_space<vmem>> -> memref<128xi32, #tpu.memory_space<vmem>>
        %dma_start3A_159 = arith.constant 0 : i32
        %dma_start3A_160 = arith.constant 0 : i32
        %dma_start3A_161 = tpu.memref_slice %arg13[%dma_start3A_159, %dma_start3A_160] : memref<10112x128xf32, #tpu.memory_space<vmem_shared>> -> memref<10112x128xf32, #tpu.memory_space<vmem_shared>>
        tpu.enqueue_indirect_dma source(%arg11 : memref<128x128xf32, #tpu.memory_space<vmem>>) target(%dma_start3A_161 : memref<10112x128xf32, #tpu.memory_space<vmem_shared>>) offsets(%dma_start3A_158 : memref<128xi32, #tpu.memory_space<vmem>>) semaphore(%run_scoped3A_155 : memref<!tpu.dma_semaphore, #tpu.memory_space<semaphore_mem>>) {add = true}
        %dma_wait3A_162 = arith.constant 0 : i32
        %dma_wait3A_163 = tpu.memref_slice %arg10[%run_scoped3A_116, %dma_wait3A_162] : memref<8x128xi32, #tpu.memory_space<vmem>> -> memref<1x128xi32, #tpu.memory_space<vmem>>
        %dma_wait3A_164 = tpu.memref_squeeze %dma_wait3A_163 : memref<1x128xi32, #tpu.memory_space<vmem>> -> memref<128xi32, #tpu.memory_space<vmem>>
        %dma_wait3A_165 = arith.constant 0 : i32
        %dma_wait3A_166 = arith.constant 0 : i32
        %dma_wait3A_167 = tpu.memref_slice %arg13[%dma_wait3A_165, %dma_wait3A_166] : memref<10112x128xf32, #tpu.memory_space<vmem_shared>> -> memref<10112x128xf32, #tpu.memory_space<vmem_shared>>
        tpu.wait_indirect_dma semaphore(%run_scoped3A_155 : memref<!tpu.dma_semaphore, #tpu.memory_space<semaphore_mem>>) src(%arg11 : memref<128x128xf32, #tpu.memory_space<vmem>>) dst(%dma_wait3A_167 : memref<10112x128xf32, #tpu.memory_space<vmem_shared>>)
        tpu.yield
      }) : () -> ()
      %dma_start3A_117 = arith.constant 6 : i32
      %dma_start3A_118 = arith.constant 0 : i32
      %dma_start3A_119 = tpu.memref_slice %arg9[%dma_start3A_117, %dma_start3A_118] : memref<8x128xi32, #tpu.memory_space<vmem>> -> memref<1x128xi32, #tpu.memory_space<vmem>>
      %dma_start3A_120 = tpu.memref_squeeze %dma_start3A_119 : memref<1x128xi32, #tpu.memory_space<vmem>> -> memref<128xi32, #tpu.memory_space<vmem>>
      %dma_start3A_121 = arith.constant 0 : i32
      %dma_start3A_122 = arith.constant 0 : i32
      %dma_start3A_123 = tpu.memref_slice %arg2[%dma_start3A_121, %dma_start3A_122] : memref<10000x128xf32, #tpu.memory_space<hbm>> -> memref<10000x128xf32, #tpu.memory_space<hbm>>
      tpu.enqueue_indirect_dma source(%dma_start3A_123 : memref<10000x128xf32, #tpu.memory_space<hbm>>) target(%arg11 : memref<128x128xf32, #tpu.memory_space<vmem>>) offsets(%dma_start3A_120 : memref<128xi32, #tpu.memory_space<vmem>>) semaphore(%arg14 : memref<!tpu.dma_semaphore, #tpu.memory_space<semaphore_mem>>)
      %dma_wait3A_124 = arith.constant 5 : i32
      %dma_wait3A_125 = arith.constant 0 : i32
      %dma_wait3A_126 = tpu.memref_slice %arg9[%dma_wait3A_124, %dma_wait3A_125] : memref<8x128xi32, #tpu.memory_space<vmem>> -> memref<1x128xi32, #tpu.memory_space<vmem>>
      %dma_wait3A_127 = tpu.memref_squeeze %dma_wait3A_126 : memref<1x128xi32, #tpu.memory_space<vmem>> -> memref<128xi32, #tpu.memory_space<vmem>>
      %dma_wait3A_128 = arith.constant 0 : i32
      %dma_wait3A_129 = arith.constant 0 : i32
      %dma_wait3A_130 = tpu.memref_slice %arg2[%dma_wait3A_128, %dma_wait3A_129] : memref<10000x128xf32, #tpu.memory_space<hbm>> -> memref<10000x128xf32, #tpu.memory_space<hbm>>
      tpu.wait_indirect_dma semaphore(%arg15 : memref<!tpu.dma_semaphore, #tpu.memory_space<semaphore_mem>>) src(%dma_wait3A_130 : memref<10000x128xf32, #tpu.memory_space<hbm>>) dst(%arg12 : memref<128x128xf32, #tpu.memory_space<vmem>>)
      %run_scoped3A_131 = arith.constant 5 : i32
      "tpu.region"() ({
        %run_scoped3A_155 = tpu.sem_alloc : memref<!tpu.dma_semaphore, #tpu.memory_space<semaphore_mem>>
        %dma_start3A_156 = arith.constant 0 : i32
        %dma_start3A_157 = tpu.memref_slice %arg10[%run_scoped3A_131, %dma_start3A_156] : memref<8x128xi32, #tpu.memory_space<vmem>> -> memref<1x128xi32, #tpu.memory_space<vmem>>
        %dma_start3A_158 = tpu.memref_squeeze %dma_start3A_157 : memref<1x128xi32, #tpu.memory_space<vmem>> -> memref<128xi32, #tpu.memory_space<vmem>>
        %dma_start3A_159 = arith.constant 0 : i32
        %dma_start3A_160 = arith.constant 0 : i32
        %dma_start3A_161 = tpu.memref_slice %arg13[%dma_start3A_159, %dma_start3A_160] : memref<10112x128xf32, #tpu.memory_space<vmem_shared>> -> memref<10112x128xf32, #tpu.memory_space<vmem_shared>>
        tpu.enqueue_indirect_dma source(%arg12 : memref<128x128xf32, #tpu.memory_space<vmem>>) target(%dma_start3A_161 : memref<10112x128xf32, #tpu.memory_space<vmem_shared>>) offsets(%dma_start3A_158 : memref<128xi32, #tpu.memory_space<vmem>>) semaphore(%run_scoped3A_155 : memref<!tpu.dma_semaphore, #tpu.memory_space<semaphore_mem>>) {add = true}
        %dma_wait3A_162 = arith.constant 0 : i32
        %dma_wait3A_163 = tpu.memref_slice %arg10[%run_scoped3A_131, %dma_wait3A_162] : memref<8x128xi32, #tpu.memory_space<vmem>> -> memref<1x128xi32, #tpu.memory_space<vmem>>
        %dma_wait3A_164 = tpu.memref_squeeze %dma_wait3A_163 : memref<1x128xi32, #tpu.memory_space<vmem>> -> memref<128xi32, #tpu.memory_space<vmem>>
        %dma_wait3A_165 = arith.constant 0 : i32
        %dma_wait3A_166 = arith.constant 0 : i32
        %dma_wait3A_167 = tpu.memref_slice %arg13[%dma_wait3A_165, %dma_wait3A_166] : memref<10112x128xf32, #tpu.memory_space<vmem_shared>> -> memref<10112x128xf32, #tpu.memory_space<vmem_shared>>
        tpu.wait_indirect_dma semaphore(%run_scoped3A_155 : memref<!tpu.dma_semaphore, #tpu.memory_space<semaphore_mem>>) src(%arg12 : memref<128x128xf32, #tpu.memory_space<vmem>>) dst(%dma_wait3A_167 : memref<10112x128xf32, #tpu.memory_space<vmem_shared>>)
        tpu.yield
      }) : () -> ()
      %dma_start3A_132 = arith.constant 7 : i32
      %dma_start3A_133 = arith.constant 0 : i32
      %dma_start3A_134 = tpu.memref_slice %arg9[%dma_start3A_132, %dma_start3A_133] : memref<8x128xi32, #tpu.memory_space<vmem>> -> memref<1x128xi32, #tpu.memory_space<vmem>>
      %dma_start3A_135 = tpu.memref_squeeze %dma_start3A_134 : memref<1x128xi32, #tpu.memory_space<vmem>> -> memref<128xi32, #tpu.memory_space<vmem>>
      %dma_start3A_136 = arith.constant 0 : i32
      %dma_start3A_137 = arith.constant 0 : i32
      %dma_start3A_138 = tpu.memref_slice %arg2[%dma_start3A_136, %dma_start3A_137] : memref<10000x128xf32, #tpu.memory_space<hbm>> -> memref<10000x128xf32, #tpu.memory_space<hbm>>
      tpu.enqueue_indirect_dma source(%dma_start3A_138 : memref<10000x128xf32, #tpu.memory_space<hbm>>) target(%arg12 : memref<128x128xf32, #tpu.memory_space<vmem>>) offsets(%dma_start3A_135 : memref<128xi32, #tpu.memory_space<vmem>>) semaphore(%arg15 : memref<!tpu.dma_semaphore, #tpu.memory_space<semaphore_mem>>)
      %dma_wait3A_139 = arith.constant 6 : i32
      %dma_wait3A_140 = arith.constant 0 : i32
      %dma_wait3A_141 = tpu.memref_slice %arg9[%dma_wait3A_139, %dma_wait3A_140] : memref<8x128xi32, #tpu.memory_space<vmem>> -> memref<1x128xi32, #tpu.memory_space<vmem>>
      %dma_wait3A_142 = tpu.memref_squeeze %dma_wait3A_141 : memref<1x128xi32, #tpu.memory_space<vmem>> -> memref<128xi32, #tpu.memory_space<vmem>>
      %dma_wait3A_143 = arith.constant 0 : i32
      %dma_wait3A_144 = arith.constant 0 : i32
      %dma_wait3A_145 = tpu.memref_slice %arg2[%dma_wait3A_143, %dma_wait3A_144] : memref<10000x128xf32, #tpu.memory_space<hbm>> -> memref<10000x128xf32, #tpu.memory_space<hbm>>
      tpu.wait_indirect_dma semaphore(%arg14 : memref<!tpu.dma_semaphore, #tpu.memory_space<semaphore_mem>>) src(%dma_wait3A_145 : memref<10000x128xf32, #tpu.memory_space<hbm>>) dst(%arg11 : memref<128x128xf32, #tpu.memory_space<vmem>>)
      %run_scoped3A_146 = arith.constant 6 : i32
      "tpu.region"() ({
        %run_scoped3A_155 = tpu.sem_alloc : memref<!tpu.dma_semaphore, #tpu.memory_space<semaphore_mem>>
        %dma_start3A_156 = arith.constant 0 : i32
        %dma_start3A_157 = tpu.memref_slice %arg10[%run_scoped3A_146, %dma_start3A_156] : memref<8x128xi32, #tpu.memory_space<vmem>> -> memref<1x128xi32, #tpu.memory_space<vmem>>
        %dma_start3A_158 = tpu.memref_squeeze %dma_start3A_157 : memref<1x128xi32, #tpu.memory_space<vmem>> -> memref<128xi32, #tpu.memory_space<vmem>>
        %dma_start3A_159 = arith.constant 0 : i32
        %dma_start3A_160 = arith.constant 0 : i32
        %dma_start3A_161 = tpu.memref_slice %arg13[%dma_start3A_159, %dma_start3A_160] : memref<10112x128xf32, #tpu.memory_space<vmem_shared>> -> memref<10112x128xf32, #tpu.memory_space<vmem_shared>>
        tpu.enqueue_indirect_dma source(%arg11 : memref<128x128xf32, #tpu.memory_space<vmem>>) target(%dma_start3A_161 : memref<10112x128xf32, #tpu.memory_space<vmem_shared>>) offsets(%dma_start3A_158 : memref<128xi32, #tpu.memory_space<vmem>>) semaphore(%run_scoped3A_155 : memref<!tpu.dma_semaphore, #tpu.memory_space<semaphore_mem>>) {add = true}
        %dma_wait3A_162 = arith.constant 0 : i32
        %dma_wait3A_163 = tpu.memref_slice %arg10[%run_scoped3A_146, %dma_wait3A_162] : memref<8x128xi32, #tpu.memory_space<vmem>> -> memref<1x128xi32, #tpu.memory_space<vmem>>
        %dma_wait3A_164 = tpu.memref_squeeze %dma_wait3A_163 : memref<1x128xi32, #tpu.memory_space<vmem>> -> memref<128xi32, #tpu.memory_space<vmem>>
        %dma_wait3A_165 = arith.constant 0 : i32
        %dma_wait3A_166 = arith.constant 0 : i32
        %dma_wait3A_167 = tpu.memref_slice %arg13[%dma_wait3A_165, %dma_wait3A_166] : memref<10112x128xf32, #tpu.memory_space<vmem_shared>> -> memref<10112x128xf32, #tpu.memory_space<vmem_shared>>
        tpu.wait_indirect_dma semaphore(%run_scoped3A_155 : memref<!tpu.dma_semaphore, #tpu.memory_space<semaphore_mem>>) src(%arg11 : memref<128x128xf32, #tpu.memory_space<vmem>>) dst(%dma_wait3A_167 : memref<10112x128xf32, #tpu.memory_space<vmem_shared>>)
        tpu.yield
      }) : () -> ()
      %dma_wait3A_147 = arith.constant 7 : i32
      %dma_wait3A_148 = arith.constant 0 : i32
      %dma_wait3A_149 = tpu.memref_slice %arg9[%dma_wait3A_147, %dma_wait3A_148] : memref<8x128xi32, #tpu.memory_space<vmem>> -> memref<1x128xi32, #tpu.memory_space<vmem>>
      %dma_wait3A_150 = tpu.memref_squeeze %dma_wait3A_149 : memref<1x128xi32, #tpu.memory_space<vmem>> -> memref<128xi32, #tpu.memory_space<vmem>>
      %dma_wait3A_151 = arith.constant 0 : i32
      %dma_wait3A_152 = arith.constant 0 : i32
      %dma_wait3A_153 = tpu.memref_slice %arg2[%dma_wait3A_151, %dma_wait3A_152] : memref<10000x128xf32, #tpu.memory_space<hbm>> -> memref<10000x128xf32, #tpu.memory_space<hbm>>
      tpu.wait_indirect_dma semaphore(%arg15 : memref<!tpu.dma_semaphore, #tpu.memory_space<semaphore_mem>>) src(%dma_wait3A_153 : memref<10000x128xf32, #tpu.memory_space<hbm>>) dst(%arg12 : memref<128x128xf32, #tpu.memory_space<vmem>>)
      %run_scoped3A_154 = arith.constant 7 : i32
      "tpu.region"() ({
        %run_scoped3A_155 = tpu.sem_alloc : memref<!tpu.dma_semaphore, #tpu.memory_space<semaphore_mem>>
        %dma_start3A_156 = arith.constant 0 : i32
        %dma_start3A_157 = tpu.memref_slice %arg10[%run_scoped3A_154, %dma_start3A_156] : memref<8x128xi32, #tpu.memory_space<vmem>> -> memref<1x128xi32, #tpu.memory_space<vmem>>
        %dma_start3A_158 = tpu.memref_squeeze %dma_start3A_157 : memref<1x128xi32, #tpu.memory_space<vmem>> -> memref<128xi32, #tpu.memory_space<vmem>>
        %dma_start3A_159 = arith.constant 0 : i32
        %dma_start3A_160 = arith.constant 0 : i32
        %dma_start3A_161 = tpu.memref_slice %arg13[%dma_start3A_159, %dma_start3A_160] : memref<10112x128xf32, #tpu.memory_space<vmem_shared>> -> memref<10112x128xf32, #tpu.memory_space<vmem_shared>>
        tpu.enqueue_indirect_dma source(%arg12 : memref<128x128xf32, #tpu.memory_space<vmem>>) target(%dma_start3A_161 : memref<10112x128xf32, #tpu.memory_space<vmem_shared>>) offsets(%dma_start3A_158 : memref<128xi32, #tpu.memory_space<vmem>>) semaphore(%run_scoped3A_155 : memref<!tpu.dma_semaphore, #tpu.memory_space<semaphore_mem>>) {add = true}
        %dma_wait3A_162 = arith.constant 0 : i32
        %dma_wait3A_163 = tpu.memref_slice %arg10[%run_scoped3A_154, %dma_wait3A_162] : memref<8x128xi32, #tpu.memory_space<vmem>> -> memref<1x128xi32, #tpu.memory_space<vmem>>
        %dma_wait3A_164 = tpu.memref_squeeze %dma_wait3A_163 : memref<1x128xi32, #tpu.memory_space<vmem>> -> memref<128xi32, #tpu.memory_space<vmem>>
        %dma_wait3A_165 = arith.constant 0 : i32
        %dma_wait3A_166 = arith.constant 0 : i32
        %dma_wait3A_167 = tpu.memref_slice %arg13[%dma_wait3A_165, %dma_wait3A_166] : memref<10112x128xf32, #tpu.memory_space<vmem_shared>> -> memref<10112x128xf32, #tpu.memory_space<vmem_shared>>
        tpu.wait_indirect_dma semaphore(%run_scoped3A_155 : memref<!tpu.dma_semaphore, #tpu.memory_space<semaphore_mem>>) src(%arg12 : memref<128x128xf32, #tpu.memory_space<vmem>>) dst(%dma_wait3A_167 : memref<10112x128xf32, #tpu.memory_space<vmem_shared>>)
        tpu.yield
      }) : () -> ()
    }
    %while3A_19 = arith.constant 1 : i32
    scf.for %while3A_34 = %while3A_17 to %while3A_13 step %while3A_19  : i32 {
      %mul3A_35 = arith.constant 8 : i32
      %mul3A_36 = arith.muli %while3A_34, %mul3A_35 : i32
      %add3A_37 = arith.addi %select_n3A_10, %mul3A_36 : i32
      "tpu.region"() ({
        %run_scoped3A_155 = tpu.sem_alloc : memref<!tpu.dma_semaphore, #tpu.memory_space<semaphore_mem>>
        %dma_start3A_156 = arith.constant 0 : i32
        %dma_start3A_157 = tpu.memref_slice %arg3[%add3A_37, %dma_start3A_156] : memref<2560x128xi32, #tpu.memory_space<hbm>> -> memref<8x128xi32, #tpu.memory_space<hbm>>
        %dma_start3A_158 = arith.constant 0 : i32
        %dma_start3A_159 = tpu.memref_slice %arg3[%add3A_37, %dma_start3A_158] : memref<2560x128xi32, #tpu.memory_space<hbm>> -> memref<8x128xi32, #tpu.memory_space<hbm>>
        tpu.enqueue_dma source(%dma_start3A_159 : memref<8x128xi32, #tpu.memory_space<hbm>>) target(%arg9 : memref<8x128xi32, #tpu.memory_space<vmem>>) target_semaphore(%run_scoped3A_155 : memref<!tpu.dma_semaphore, #tpu.memory_space<semaphore_mem>>)
        %dma_wait3A_160 = arith.constant 0 : i32
        %dma_wait3A_161 = tpu.memref_slice %arg3[%add3A_37, %dma_wait3A_160] : memref<2560x128xi32, #tpu.memory_space<hbm>> -> memref<8x128xi32, #tpu.memory_space<hbm>>
        %dma_wait3A_162 = arith.constant 0 : i32
        %dma_wait3A_163 = tpu.memref_slice %arg3[%add3A_37, %dma_wait3A_162] : memref<2560x128xi32, #tpu.memory_space<hbm>> -> memref<8x128xi32, #tpu.memory_space<hbm>>
        tpu.wait_dma2 semaphore(%run_scoped3A_155 : memref<!tpu.dma_semaphore, #tpu.memory_space<semaphore_mem>>) src(%dma_wait3A_163 : memref<8x128xi32, #tpu.memory_space<hbm>>) dst(%arg9 : memref<8x128xi32, #tpu.memory_space<vmem>>)
        tpu.yield
      }) : () -> ()
      "tpu.region"() ({
        %run_scoped3A_155 = tpu.sem_alloc : memref<!tpu.dma_semaphore, #tpu.memory_space<semaphore_mem>>
        %dma_start3A_156 = arith.constant 0 : i32
        %dma_start3A_157 = tpu.memref_slice %arg4[%add3A_37, %dma_start3A_156] : memref<2560x128xi32, #tpu.memory_space<hbm>> -> memref<8x128xi32, #tpu.memory_space<hbm>>
        %dma_start3A_158 = arith.constant 0 : i32
        %dma_start3A_159 = tpu.memref_slice %arg4[%add3A_37, %dma_start3A_158] : memref<2560x128xi32, #tpu.memory_space<hbm>> -> memref<8x128xi32, #tpu.memory_space<hbm>>
        tpu.enqueue_dma source(%dma_start3A_159 : memref<8x128xi32, #tpu.memory_space<hbm>>) target(%arg10 : memref<8x128xi32, #tpu.memory_space<vmem>>) target_semaphore(%run_scoped3A_155 : memref<!tpu.dma_semaphore, #tpu.memory_space<semaphore_mem>>)
        %dma_wait3A_160 = arith.constant 0 : i32
        %dma_wait3A_161 = tpu.memref_slice %arg4[%add3A_37, %dma_wait3A_160] : memref<2560x128xi32, #tpu.memory_space<hbm>> -> memref<8x128xi32, #tpu.memory_space<hbm>>
        %dma_wait3A_162 = arith.constant 0 : i32
        %dma_wait3A_163 = tpu.memref_slice %arg4[%add3A_37, %dma_wait3A_162] : memref<2560x128xi32, #tpu.memory_space<hbm>> -> memref<8x128xi32, #tpu.memory_space<hbm>>
        tpu.wait_dma2 semaphore(%run_scoped3A_155 : memref<!tpu.dma_semaphore, #tpu.memory_space<semaphore_mem>>) src(%dma_wait3A_163 : memref<8x128xi32, #tpu.memory_space<hbm>>) dst(%arg10 : memref<8x128xi32, #tpu.memory_space<vmem>>)
        tpu.yield
      }) : () -> ()
      %dma_start3A = arith.constant 0 : i32
      %dma_start3A_38 = arith.constant 0 : i32
      %dma_start3A_39 = tpu.memref_slice %arg9[%dma_start3A, %dma_start3A_38] : memref<8x128xi32, #tpu.memory_space<vmem>> -> memref<1x128xi32, #tpu.memory_space<vmem>>
      %dma_start3A_40 = tpu.memref_squeeze %dma_start3A_39 : memref<1x128xi32, #tpu.memory_space<vmem>> -> memref<128xi32, #tpu.memory_space<vmem>>
      %dma_start3A_41 = arith.constant 0 : i32
      %dma_start3A_42 = arith.constant 0 : i32
      %dma_start3A_43 = tpu.memref_slice %arg2[%dma_start3A_41, %dma_start3A_42] : memref<10000x128xf32, #tpu.memory_space<hbm>> -> memref<10000x128xf32, #tpu.memory_space<hbm>>
      tpu.enqueue_indirect_dma source(%dma_start3A_43 : memref<10000x128xf32, #tpu.memory_space<hbm>>) target(%arg11 : memref<128x128xf32, #tpu.memory_space<vmem>>) offsets(%dma_start3A_40 : memref<128xi32, #tpu.memory_space<vmem>>) semaphore(%arg14 : memref<!tpu.dma_semaphore, #tpu.memory_space<semaphore_mem>>)
      %dma_start3A_44 = arith.constant 1 : i32
      %dma_start3A_45 = arith.constant 0 : i32
      %dma_start3A_46 = tpu.memref_slice %arg9[%dma_start3A_44, %dma_start3A_45] : memref<8x128xi32, #tpu.memory_space<vmem>> -> memref<1x128xi32, #tpu.memory_space<vmem>>
      %dma_start3A_47 = tpu.memref_squeeze %dma_start3A_46 : memref<1x128xi32, #tpu.memory_space<vmem>> -> memref<128xi32, #tpu.memory_space<vmem>>
      %dma_start3A_48 = arith.constant 0 : i32
      %dma_start3A_49 = arith.constant 0 : i32
      %dma_start3A_50 = tpu.memref_slice %arg2[%dma_start3A_48, %dma_start3A_49] : memref<10000x128xf32, #tpu.memory_space<hbm>> -> memref<10000x128xf32, #tpu.memory_space<hbm>>
      tpu.enqueue_indirect_dma source(%dma_start3A_50 : memref<10000x128xf32, #tpu.memory_space<hbm>>) target(%arg12 : memref<128x128xf32, #tpu.memory_space<vmem>>) offsets(%dma_start3A_47 : memref<128xi32, #tpu.memory_space<vmem>>) semaphore(%arg15 : memref<!tpu.dma_semaphore, #tpu.memory_space<semaphore_mem>>)
      %dma_wait3A = arith.constant 0 : i32
      %dma_wait3A_51 = arith.constant 0 : i32
      %dma_wait3A_52 = tpu.memref_slice %arg9[%dma_wait3A, %dma_wait3A_51] : memref<8x128xi32, #tpu.memory_space<vmem>> -> memref<1x128xi32, #tpu.memory_space<vmem>>
      %dma_wait3A_53 = tpu.memref_squeeze %dma_wait3A_52 : memref<1x128xi32, #tpu.memory_space<vmem>> -> memref<128xi32, #tpu.memory_space<vmem>>
      %dma_wait3A_54 = arith.constant 0 : i32
      %dma_wait3A_55 = arith.constant 0 : i32
      %dma_wait3A_56 = tpu.memref_slice %arg2[%dma_wait3A_54, %dma_wait3A_55] : memref<10000x128xf32, #tpu.memory_space<hbm>> -> memref<10000x128xf32, #tpu.memory_space<hbm>>
      tpu.wait_indirect_dma semaphore(%arg14 : memref<!tpu.dma_semaphore, #tpu.memory_space<semaphore_mem>>) src(%dma_wait3A_56 : memref<10000x128xf32, #tpu.memory_space<hbm>>) dst(%arg11 : memref<128x128xf32, #tpu.memory_space<vmem>>)
      %run_scoped3A = arith.constant 0 : i32
      "tpu.region"() ({
        %run_scoped3A_155 = tpu.sem_alloc : memref<!tpu.dma_semaphore, #tpu.memory_space<semaphore_mem>>
        %dma_start3A_156 = arith.constant 0 : i32
        %dma_start3A_157 = tpu.memref_slice %arg10[%run_scoped3A, %dma_start3A_156] : memref<8x128xi32, #tpu.memory_space<vmem>> -> memref<1x128xi32, #tpu.memory_space<vmem>>
        %dma_start3A_158 = tpu.memref_squeeze %dma_start3A_157 : memref<1x128xi32, #tpu.memory_space<vmem>> -> memref<128xi32, #tpu.memory_space<vmem>>
        %dma_start3A_159 = arith.constant 0 : i32
        %dma_start3A_160 = arith.constant 0 : i32
        %dma_start3A_161 = tpu.memref_slice %arg13[%dma_start3A_159, %dma_start3A_160] : memref<10112x128xf32, #tpu.memory_space<vmem_shared>> -> memref<10112x128xf32, #tpu.memory_space<vmem_shared>>
        tpu.enqueue_indirect_dma source(%arg11 : memref<128x128xf32, #tpu.memory_space<vmem>>) target(%dma_start3A_161 : memref<10112x128xf32, #tpu.memory_space<vmem_shared>>) offsets(%dma_start3A_158 : memref<128xi32, #tpu.memory_space<vmem>>) semaphore(%run_scoped3A_155 : memref<!tpu.dma_semaphore, #tpu.memory_space<semaphore_mem>>) {add = true}
        %dma_wait3A_162 = arith.constant 0 : i32
        %dma_wait3A_163 = tpu.memref_slice %arg10[%run_scoped3A, %dma_wait3A_162] : memref<8x128xi32, #tpu.memory_space<vmem>> -> memref<1x128xi32, #tpu.memory_space<vmem>>
        %dma_wait3A_164 = tpu.memref_squeeze %dma_wait3A_163 : memref<1x128xi32, #tpu.memory_space<vmem>> -> memref<128xi32, #tpu.memory_space<vmem>>
        %dma_wait3A_165 = arith.constant 0 : i32
        %dma_wait3A_166 = arith.constant 0 : i32
        %dma_wait3A_167 = tpu.memref_slice %arg13[%dma_wait3A_165, %dma_wait3A_166] : memref<10112x128xf32, #tpu.memory_space<vmem_shared>> -> memref<10112x128xf32, #tpu.memory_space<vmem_shared>>
        tpu.wait_indirect_dma semaphore(%run_scoped3A_155 : memref<!tpu.dma_semaphore, #tpu.memory_space<semaphore_mem>>) src(%arg11 : memref<128x128xf32, #tpu.memory_space<vmem>>) dst(%dma_wait3A_167 : memref<10112x128xf32, #tpu.memory_space<vmem_shared>>)
        tpu.yield
      }) : () -> ()
      %dma_start3A_57 = arith.constant 2 : i32
      %dma_start3A_58 = arith.constant 0 : i32
      %dma_start3A_59 = tpu.memref_slice %arg9[%dma_start3A_57, %dma_start3A_58] : memref<8x128xi32, #tpu.memory_space<vmem>> -> memref<1x128xi32, #tpu.memory_space<vmem>>
      %dma_start3A_60 = tpu.memref_squeeze %dma_start3A_59 : memref<1x128xi32, #tpu.memory_space<vmem>> -> memref<128xi32, #tpu.memory_space<vmem>>
      %dma_start3A_61 = arith.constant 0 : i32
      %dma_start3A_62 = arith.constant 0 : i32
      %dma_start3A_63 = tpu.memref_slice %arg2[%dma_start3A_61, %dma_start3A_62] : memref<10000x128xf32, #tpu.memory_space<hbm>> -> memref<10000x128xf32, #tpu.memory_space<hbm>>
      tpu.enqueue_indirect_dma source(%dma_start3A_63 : memref<10000x128xf32, #tpu.memory_space<hbm>>) target(%arg11 : memref<128x128xf32, #tpu.memory_space<vmem>>) offsets(%dma_start3A_60 : memref<128xi32, #tpu.memory_space<vmem>>) semaphore(%arg14 : memref<!tpu.dma_semaphore, #tpu.memory_space<semaphore_mem>>)
      %dma_wait3A_64 = arith.constant 1 : i32
      %dma_wait3A_65 = arith.constant 0 : i32
      %dma_wait3A_66 = tpu.memref_slice %arg9[%dma_wait3A_64, %dma_wait3A_65] : memref<8x128xi32, #tpu.memory_space<vmem>> -> memref<1x128xi32, #tpu.memory_space<vmem>>
      %dma_wait3A_67 = tpu.memref_squeeze %dma_wait3A_66 : memref<1x128xi32, #tpu.memory_space<vmem>> -> memref<128xi32, #tpu.memory_space<vmem>>
      %dma_wait3A_68 = arith.constant 0 : i32
      %dma_wait3A_69 = arith.constant 0 : i32
      %dma_wait3A_70 = tpu.memref_slice %arg2[%dma_wait3A_68, %dma_wait3A_69] : memref<10000x128xf32, #tpu.memory_space<hbm>> -> memref<10000x128xf32, #tpu.memory_space<hbm>>
      tpu.wait_indirect_dma semaphore(%arg15 : memref<!tpu.dma_semaphore, #tpu.memory_space<semaphore_mem>>) src(%dma_wait3A_70 : memref<10000x128xf32, #tpu.memory_space<hbm>>) dst(%arg12 : memref<128x128xf32, #tpu.memory_space<vmem>>)
      %run_scoped3A_71 = arith.constant 1 : i32
      "tpu.region"() ({
        %run_scoped3A_155 = tpu.sem_alloc : memref<!tpu.dma_semaphore, #tpu.memory_space<semaphore_mem>>
        %dma_start3A_156 = arith.constant 0 : i32
        %dma_start3A_157 = tpu.memref_slice %arg10[%run_scoped3A_71, %dma_start3A_156] : memref<8x128xi32, #tpu.memory_space<vmem>> -> memref<1x128xi32, #tpu.memory_space<vmem>>
        %dma_start3A_158 = tpu.memref_squeeze %dma_start3A_157 : memref<1x128xi32, #tpu.memory_space<vmem>> -> memref<128xi32, #tpu.memory_space<vmem>>
        %dma_start3A_159 = arith.constant 0 : i32
        %dma_start3A_160 = arith.constant 0 : i32
        %dma_start3A_161 = tpu.memref_slice %arg13[%dma_start3A_159, %dma_start3A_160] : memref<10112x128xf32, #tpu.memory_space<vmem_shared>> -> memref<10112x128xf32, #tpu.memory_space<vmem_shared>>
        tpu.enqueue_indirect_dma source(%arg12 : memref<128x128xf32, #tpu.memory_space<vmem>>) target(%dma_start3A_161 : memref<10112x128xf32, #tpu.memory_space<vmem_shared>>) offsets(%dma_start3A_158 : memref<128xi32, #tpu.memory_space<vmem>>) semaphore(%run_scoped3A_155 : memref<!tpu.dma_semaphore, #tpu.memory_space<semaphore_mem>>) {add = true}
        %dma_wait3A_162 = arith.constant 0 : i32
        %dma_wait3A_163 = tpu.memref_slice %arg10[%run_scoped3A_71, %dma_wait3A_162] : memref<8x128xi32, #tpu.memory_space<vmem>> -> memref<1x128xi32, #tpu.memory_space<vmem>>
        %dma_wait3A_164 = tpu.memref_squeeze %dma_wait3A_163 : memref<1x128xi32, #tpu.memory_space<vmem>> -> memref<128xi32, #tpu.memory_space<vmem>>
        %dma_wait3A_165 = arith.constant 0 : i32
        %dma_wait3A_166 = arith.constant 0 : i32
        %dma_wait3A_167 = tpu.memref_slice %arg13[%dma_wait3A_165, %dma_wait3A_166] : memref<10112x128xf32, #tpu.memory_space<vmem_shared>> -> memref<10112x128xf32, #tpu.memory_space<vmem_shared>>
        tpu.wait_indirect_dma semaphore(%run_scoped3A_155 : memref<!tpu.dma_semaphore, #tpu.memory_space<semaphore_mem>>) src(%arg12 : memref<128x128xf32, #tpu.memory_space<vmem>>) dst(%dma_wait3A_167 : memref<10112x128xf32, #tpu.memory_space<vmem_shared>>)
        tpu.yield
      }) : () -> ()
      %dma_start3A_72 = arith.constant 3 : i32
      %dma_start3A_73 = arith.constant 0 : i32
      %dma_start3A_74 = tpu.memref_slice %arg9[%dma_start3A_72, %dma_start3A_73] : memref<8x128xi32, #tpu.memory_space<vmem>> -> memref<1x128xi32, #tpu.memory_space<vmem>>
      %dma_start3A_75 = tpu.memref_squeeze %dma_start3A_74 : memref<1x128xi32, #tpu.memory_space<vmem>> -> memref<128xi32, #tpu.memory_space<vmem>>
      %dma_start3A_76 = arith.constant 0 : i32
      %dma_start3A_77 = arith.constant 0 : i32
      %dma_start3A_78 = tpu.memref_slice %arg2[%dma_start3A_76, %dma_start3A_77] : memref<10000x128xf32, #tpu.memory_space<hbm>> -> memref<10000x128xf32, #tpu.memory_space<hbm>>
      tpu.enqueue_indirect_dma source(%dma_start3A_78 : memref<10000x128xf32, #tpu.memory_space<hbm>>) target(%arg12 : memref<128x128xf32, #tpu.memory_space<vmem>>) offsets(%dma_start3A_75 : memref<128xi32, #tpu.memory_space<vmem>>) semaphore(%arg15 : memref<!tpu.dma_semaphore, #tpu.memory_space<semaphore_mem>>)
      %dma_wait3A_79 = arith.constant 2 : i32
      %dma_wait3A_80 = arith.constant 0 : i32
      %dma_wait3A_81 = tpu.memref_slice %arg9[%dma_wait3A_79, %dma_wait3A_80] : memref<8x128xi32, #tpu.memory_space<vmem>> -> memref<1x128xi32, #tpu.memory_space<vmem>>
      %dma_wait3A_82 = tpu.memref_squeeze %dma_wait3A_81 : memref<1x128xi32, #tpu.memory_space<vmem>> -> memref<128xi32, #tpu.memory_space<vmem>>
      %dma_wait3A_83 = arith.constant 0 : i32
      %dma_wait3A_84 = arith.constant 0 : i32
      %dma_wait3A_85 = tpu.memref_slice %arg2[%dma_wait3A_83, %dma_wait3A_84] : memref<10000x128xf32, #tpu.memory_space<hbm>> -> memref<10000x128xf32, #tpu.memory_space<hbm>>
      tpu.wait_indirect_dma semaphore(%arg14 : memref<!tpu.dma_semaphore, #tpu.memory_space<semaphore_mem>>) src(%dma_wait3A_85 : memref<10000x128xf32, #tpu.memory_space<hbm>>) dst(%arg11 : memref<128x128xf32, #tpu.memory_space<vmem>>)
      %run_scoped3A_86 = arith.constant 2 : i32
      "tpu.region"() ({
        %run_scoped3A_155 = tpu.sem_alloc : memref<!tpu.dma_semaphore, #tpu.memory_space<semaphore_mem>>
        %dma_start3A_156 = arith.constant 0 : i32
        %dma_start3A_157 = tpu.memref_slice %arg10[%run_scoped3A_86, %dma_start3A_156] : memref<8x128xi32, #tpu.memory_space<vmem>> -> memref<1x128xi32, #tpu.memory_space<vmem>>
        %dma_start3A_158 = tpu.memref_squeeze %dma_start3A_157 : memref<1x128xi32, #tpu.memory_space<vmem>> -> memref<128xi32, #tpu.memory_space<vmem>>
        %dma_start3A_159 = arith.constant 0 : i32
        %dma_start3A_160 = arith.constant 0 : i32
        %dma_start3A_161 = tpu.memref_slice %arg13[%dma_start3A_159, %dma_start3A_160] : memref<10112x128xf32, #tpu.memory_space<vmem_shared>> -> memref<10112x128xf32, #tpu.memory_space<vmem_shared>>
        tpu.enqueue_indirect_dma source(%arg11 : memref<128x128xf32, #tpu.memory_space<vmem>>) target(%dma_start3A_161 : memref<10112x128xf32, #tpu.memory_space<vmem_shared>>) offsets(%dma_start3A_158 : memref<128xi32, #tpu.memory_space<vmem>>) semaphore(%run_scoped3A_155 : memref<!tpu.dma_semaphore, #tpu.memory_space<semaphore_mem>>) {add = true}
        %dma_wait3A_162 = arith.constant 0 : i32
        %dma_wait3A_163 = tpu.memref_slice %arg10[%run_scoped3A_86, %dma_wait3A_162] : memref<8x128xi32, #tpu.memory_space<vmem>> -> memref<1x128xi32, #tpu.memory_space<vmem>>
        %dma_wait3A_164 = tpu.memref_squeeze %dma_wait3A_163 : memref<1x128xi32, #tpu.memory_space<vmem>> -> memref<128xi32, #tpu.memory_space<vmem>>
        %dma_wait3A_165 = arith.constant 0 : i32
        %dma_wait3A_166 = arith.constant 0 : i32
        %dma_wait3A_167 = tpu.memref_slice %arg13[%dma_wait3A_165, %dma_wait3A_166] : memref<10112x128xf32, #tpu.memory_space<vmem_shared>> -> memref<10112x128xf32, #tpu.memory_space<vmem_shared>>
        tpu.wait_indirect_dma semaphore(%run_scoped3A_155 : memref<!tpu.dma_semaphore, #tpu.memory_space<semaphore_mem>>) src(%arg11 : memref<128x128xf32, #tpu.memory_space<vmem>>) dst(%dma_wait3A_167 : memref<10112x128xf32, #tpu.memory_space<vmem_shared>>)
        tpu.yield
      }) : () -> ()
      %dma_start3A_87 = arith.constant 4 : i32
      %dma_start3A_88 = arith.constant 0 : i32
      %dma_start3A_89 = tpu.memref_slice %arg9[%dma_start3A_87, %dma_start3A_88] : memref<8x128xi32, #tpu.memory_space<vmem>> -> memref<1x128xi32, #tpu.memory_space<vmem>>
      %dma_start3A_90 = tpu.memref_squeeze %dma_start3A_89 : memref<1x128xi32, #tpu.memory_space<vmem>> -> memref<128xi32, #tpu.memory_space<vmem>>
      %dma_start3A_91 = arith.constant 0 : i32
      %dma_start3A_92 = arith.constant 0 : i32
      %dma_start3A_93 = tpu.memref_slice %arg2[%dma_start3A_91, %dma_start3A_92] : memref<10000x128xf32, #tpu.memory_space<hbm>> -> memref<10000x128xf32, #tpu.memory_space<hbm>>
      tpu.enqueue_indirect_dma source(%dma_start3A_93 : memref<10000x128xf32, #tpu.memory_space<hbm>>) target(%arg11 : memref<128x128xf32, #tpu.memory_space<vmem>>) offsets(%dma_start3A_90 : memref<128xi32, #tpu.memory_space<vmem>>) semaphore(%arg14 : memref<!tpu.dma_semaphore, #tpu.memory_space<semaphore_mem>>)
      %dma_wait3A_94 = arith.constant 3 : i32
      %dma_wait3A_95 = arith.constant 0 : i32
      %dma_wait3A_96 = tpu.memref_slice %arg9[%dma_wait3A_94, %dma_wait3A_95] : memref<8x128xi32, #tpu.memory_space<vmem>> -> memref<1x128xi32, #tpu.memory_space<vmem>>
      %dma_wait3A_97 = tpu.memref_squeeze %dma_wait3A_96 : memref<1x128xi32, #tpu.memory_space<vmem>> -> memref<128xi32, #tpu.memory_space<vmem>>
      %dma_wait3A_98 = arith.constant 0 : i32
      %dma_wait3A_99 = arith.constant 0 : i32
      %dma_wait3A_100 = tpu.memref_slice %arg2[%dma_wait3A_98, %dma_wait3A_99] : memref<10000x128xf32, #tpu.memory_space<hbm>> -> memref<10000x128xf32, #tpu.memory_space<hbm>>
      tpu.wait_indirect_dma semaphore(%arg15 : memref<!tpu.dma_semaphore, #tpu.memory_space<semaphore_mem>>) src(%dma_wait3A_100 : memref<10000x128xf32, #tpu.memory_space<hbm>>) dst(%arg12 : memref<128x128xf32, #tpu.memory_space<vmem>>)
      %run_scoped3A_101 = arith.constant 3 : i32
      "tpu.region"() ({
        %run_scoped3A_155 = tpu.sem_alloc : memref<!tpu.dma_semaphore, #tpu.memory_space<semaphore_mem>>
        %dma_start3A_156 = arith.constant 0 : i32
        %dma_start3A_157 = tpu.memref_slice %arg10[%run_scoped3A_101, %dma_start3A_156] : memref<8x128xi32, #tpu.memory_space<vmem>> -> memref<1x128xi32, #tpu.memory_space<vmem>>
        %dma_start3A_158 = tpu.memref_squeeze %dma_start3A_157 : memref<1x128xi32, #tpu.memory_space<vmem>> -> memref<128xi32, #tpu.memory_space<vmem>>
        %dma_start3A_159 = arith.constant 0 : i32
        %dma_start3A_160 = arith.constant 0 : i32
        %dma_start3A_161 = tpu.memref_slice %arg13[%dma_start3A_159, %dma_start3A_160] : memref<10112x128xf32, #tpu.memory_space<vmem_shared>> -> memref<10112x128xf32, #tpu.memory_space<vmem_shared>>
        tpu.enqueue_indirect_dma source(%arg12 : memref<128x128xf32, #tpu.memory_space<vmem>>) target(%dma_start3A_161 : memref<10112x128xf32, #tpu.memory_space<vmem_shared>>) offsets(%dma_start3A_158 : memref<128xi32, #tpu.memory_space<vmem>>) semaphore(%run_scoped3A_155 : memref<!tpu.dma_semaphore, #tpu.memory_space<semaphore_mem>>) {add = true}
        %dma_wait3A_162 = arith.constant 0 : i32
        %dma_wait3A_163 = tpu.memref_slice %arg10[%run_scoped3A_101, %dma_wait3A_162] : memref<8x128xi32, #tpu.memory_space<vmem>> -> memref<1x128xi32, #tpu.memory_space<vmem>>
        %dma_wait3A_164 = tpu.memref_squeeze %dma_wait3A_163 : memref<1x128xi32, #tpu.memory_space<vmem>> -> memref<128xi32, #tpu.memory_space<vmem>>
        %dma_wait3A_165 = arith.constant 0 : i32
        %dma_wait3A_166 = arith.constant 0 : i32
        %dma_wait3A_167 = tpu.memref_slice %arg13[%dma_wait3A_165, %dma_wait3A_166] : memref<10112x128xf32, #tpu.memory_space<vmem_shared>> -> memref<10112x128xf32, #tpu.memory_space<vmem_shared>>
        tpu.wait_indirect_dma semaphore(%run_scoped3A_155 : memref<!tpu.dma_semaphore, #tpu.memory_space<semaphore_mem>>) src(%arg12 : memref<128x128xf32, #tpu.memory_space<vmem>>) dst(%dma_wait3A_167 : memref<10112x128xf32, #tpu.memory_space<vmem_shared>>)
        tpu.yield
      }) : () -> ()
      %dma_start3A_102 = arith.constant 5 : i32
      %dma_start3A_103 = arith.constant 0 : i32
      %dma_start3A_104 = tpu.memref_slice %arg9[%dma_start3A_102, %dma_start3A_103] : memref<8x128xi32, #tpu.memory_space<vmem>> -> memref<1x128xi32, #tpu.memory_space<vmem>>
      %dma_start3A_105 = tpu.memref_squeeze %dma_start3A_104 : memref<1x128xi32, #tpu.memory_space<vmem>> -> memref<128xi32, #tpu.memory_space<vmem>>
      %dma_start3A_106 = arith.constant 0 : i32
      %dma_start3A_107 = arith.constant 0 : i32
      %dma_start3A_108 = tpu.memref_slice %arg2[%dma_start3A_106, %dma_start3A_107] : memref<10000x128xf32, #tpu.memory_space<hbm>> -> memref<10000x128xf32, #tpu.memory_space<hbm>>
      tpu.enqueue_indirect_dma source(%dma_start3A_108 : memref<10000x128xf32, #tpu.memory_space<hbm>>) target(%arg12 : memref<128x128xf32, #tpu.memory_space<vmem>>) offsets(%dma_start3A_105 : memref<128xi32, #tpu.memory_space<vmem>>) semaphore(%arg15 : memref<!tpu.dma_semaphore, #tpu.memory_space<semaphore_mem>>)
      %dma_wait3A_109 = arith.constant 4 : i32
      %dma_wait3A_110 = arith.constant 0 : i32
      %dma_wait3A_111 = tpu.memref_slice %arg9[%dma_wait3A_109, %dma_wait3A_110] : memref<8x128xi32, #tpu.memory_space<vmem>> -> memref<1x128xi32, #tpu.memory_space<vmem>>
      %dma_wait3A_112 = tpu.memref_squeeze %dma_wait3A_111 : memref<1x128xi32, #tpu.memory_space<vmem>> -> memref<128xi32, #tpu.memory_space<vmem>>
      %dma_wait3A_113 = arith.constant 0 : i32
      %dma_wait3A_114 = arith.constant 0 : i32
      %dma_wait3A_115 = tpu.memref_slice %arg2[%dma_wait3A_113, %dma_wait3A_114] : memref<10000x128xf32, #tpu.memory_space<hbm>> -> memref<10000x128xf32, #tpu.memory_space<hbm>>
      tpu.wait_indirect_dma semaphore(%arg14 : memref<!tpu.dma_semaphore, #tpu.memory_space<semaphore_mem>>) src(%dma_wait3A_115 : memref<10000x128xf32, #tpu.memory_space<hbm>>) dst(%arg11 : memref<128x128xf32, #tpu.memory_space<vmem>>)
      %run_scoped3A_116 = arith.constant 4 : i32
      "tpu.region"() ({
        %run_scoped3A_155 = tpu.sem_alloc : memref<!tpu.dma_semaphore, #tpu.memory_space<semaphore_mem>>
        %dma_start3A_156 = arith.constant 0 : i32
        %dma_start3A_157 = tpu.memref_slice %arg10[%run_scoped3A_116, %dma_start3A_156] : memref<8x128xi32, #tpu.memory_space<vmem>> -> memref<1x128xi32, #tpu.memory_space<vmem>>
        %dma_start3A_158 = tpu.memref_squeeze %dma_start3A_157 : memref<1x128xi32, #tpu.memory_space<vmem>> -> memref<128xi32, #tpu.memory_space<vmem>>
        %dma_start3A_159 = arith.constant 0 : i32
        %dma_start3A_160 = arith.constant 0 : i32
        %dma_start3A_161 = tpu.memref_slice %arg13[%dma_start3A_159, %dma_start3A_160] : memref<10112x128xf32, #tpu.memory_space<vmem_shared>> -> memref<10112x128xf32, #tpu.memory_space<vmem_shared>>
        tpu.enqueue_indirect_dma source(%arg11 : memref<128x128xf32, #tpu.memory_space<vmem>>) target(%dma_start3A_161 : memref<10112x128xf32, #tpu.memory_space<vmem_shared>>) offsets(%dma_start3A_158 : memref<128xi32, #tpu.memory_space<vmem>>) semaphore(%run_scoped3A_155 : memref<!tpu.dma_semaphore, #tpu.memory_space<semaphore_mem>>) {add = true}
        %dma_wait3A_162 = arith.constant 0 : i32
        %dma_wait3A_163 = tpu.memref_slice %arg10[%run_scoped3A_116, %dma_wait3A_162] : memref<8x128xi32, #tpu.memory_space<vmem>> -> memref<1x128xi32, #tpu.memory_space<vmem>>
        %dma_wait3A_164 = tpu.memref_squeeze %dma_wait3A_163 : memref<1x128xi32, #tpu.memory_space<vmem>> -> memref<128xi32, #tpu.memory_space<vmem>>
        %dma_wait3A_165 = arith.constant 0 : i32
        %dma_wait3A_166 = arith.constant 0 : i32
        %dma_wait3A_167 = tpu.memref_slice %arg13[%dma_wait3A_165, %dma_wait3A_166] : memref<10112x128xf32, #tpu.memory_space<vmem_shared>> -> memref<10112x128xf32, #tpu.memory_space<vmem_shared>>
        tpu.wait_indirect_dma semaphore(%run_scoped3A_155 : memref<!tpu.dma_semaphore, #tpu.memory_space<semaphore_mem>>) src(%arg11 : memref<128x128xf32, #tpu.memory_space<vmem>>) dst(%dma_wait3A_167 : memref<10112x128xf32, #tpu.memory_space<vmem_shared>>)
        tpu.yield
      }) : () -> ()
      %dma_start3A_117 = arith.constant 6 : i32
      %dma_start3A_118 = arith.constant 0 : i32
      %dma_start3A_119 = tpu.memref_slice %arg9[%dma_start3A_117, %dma_start3A_118] : memref<8x128xi32, #tpu.memory_space<vmem>> -> memref<1x128xi32, #tpu.memory_space<vmem>>
      %dma_start3A_120 = tpu.memref_squeeze %dma_start3A_119 : memref<1x128xi32, #tpu.memory_space<vmem>> -> memref<128xi32, #tpu.memory_space<vmem>>
      %dma_start3A_121 = arith.constant 0 : i32
      %dma_start3A_122 = arith.constant 0 : i32
      %dma_start3A_123 = tpu.memref_slice %arg2[%dma_start3A_121, %dma_start3A_122] : memref<10000x128xf32, #tpu.memory_space<hbm>> -> memref<10000x128xf32, #tpu.memory_space<hbm>>
      tpu.enqueue_indirect_dma source(%dma_start3A_123 : memref<10000x128xf32, #tpu.memory_space<hbm>>) target(%arg11 : memref<128x128xf32, #tpu.memory_space<vmem>>) offsets(%dma_start3A_120 : memref<128xi32, #tpu.memory_space<vmem>>) semaphore(%arg14 : memref<!tpu.dma_semaphore, #tpu.memory_space<semaphore_mem>>)
      %dma_wait3A_124 = arith.constant 5 : i32
      %dma_wait3A_125 = arith.constant 0 : i32
      %dma_wait3A_126 = tpu.memref_slice %arg9[%dma_wait3A_124, %dma_wait3A_125] : memref<8x128xi32, #tpu.memory_space<vmem>> -> memref<1x128xi32, #tpu.memory_space<vmem>>
      %dma_wait3A_127 = tpu.memref_squeeze %dma_wait3A_126 : memref<1x128xi32, #tpu.memory_space<vmem>> -> memref<128xi32, #tpu.memory_space<vmem>>
      %dma_wait3A_128 = arith.constant 0 : i32
      %dma_wait3A_129 = arith.constant 0 : i32
      %dma_wait3A_130 = tpu.memref_slice %arg2[%dma_wait3A_128, %dma_wait3A_129] : memref<10000x128xf32, #tpu.memory_space<hbm>> -> memref<10000x128xf32, #tpu.memory_space<hbm>>
      tpu.wait_indirect_dma semaphore(%arg15 : memref<!tpu.dma_semaphore, #tpu.memory_space<semaphore_mem>>) src(%dma_wait3A_130 : memref<10000x128xf32, #tpu.memory_space<hbm>>) dst(%arg12 : memref<128x128xf32, #tpu.memory_space<vmem>>)
      %run_scoped3A_131 = arith.constant 5 : i32
      "tpu.region"() ({
        %run_scoped3A_155 = tpu.sem_alloc : memref<!tpu.dma_semaphore, #tpu.memory_space<semaphore_mem>>
        %dma_start3A_156 = arith.constant 0 : i32
        %dma_start3A_157 = tpu.memref_slice %arg10[%run_scoped3A_131, %dma_start3A_156] : memref<8x128xi32, #tpu.memory_space<vmem>> -> memref<1x128xi32, #tpu.memory_space<vmem>>
        %dma_start3A_158 = tpu.memref_squeeze %dma_start3A_157 : memref<1x128xi32, #tpu.memory_space<vmem>> -> memref<128xi32, #tpu.memory_space<vmem>>
        %dma_start3A_159 = arith.constant 0 : i32
        %dma_start3A_160 = arith.constant 0 : i32
        %dma_start3A_161 = tpu.memref_slice %arg13[%dma_start3A_159, %dma_start3A_160] : memref<10112x128xf32, #tpu.memory_space<vmem_shared>> -> memref<10112x128xf32, #tpu.memory_space<vmem_shared>>
        tpu.enqueue_indirect_dma source(%arg12 : memref<128x128xf32, #tpu.memory_space<vmem>>) target(%dma_start3A_161 : memref<10112x128xf32, #tpu.memory_space<vmem_shared>>) offsets(%dma_start3A_158 : memref<128xi32, #tpu.memory_space<vmem>>) semaphore(%run_scoped3A_155 : memref<!tpu.dma_semaphore, #tpu.memory_space<semaphore_mem>>) {add = true}
        %dma_wait3A_162 = arith.constant 0 : i32
        %dma_wait3A_163 = tpu.memref_slice %arg10[%run_scoped3A_131, %dma_wait3A_162] : memref<8x128xi32, #tpu.memory_space<vmem>> -> memref<1x128xi32, #tpu.memory_space<vmem>>
        %dma_wait3A_164 = tpu.memref_squeeze %dma_wait3A_163 : memref<1x128xi32, #tpu.memory_space<vmem>> -> memref<128xi32, #tpu.memory_space<vmem>>
        %dma_wait3A_165 = arith.constant 0 : i32
        %dma_wait3A_166 = arith.constant 0 : i32
        %dma_wait3A_167 = tpu.memref_slice %arg13[%dma_wait3A_165, %dma_wait3A_166] : memref<10112x128xf32, #tpu.memory_space<vmem_shared>> -> memref<10112x128xf32, #tpu.memory_space<vmem_shared>>
        tpu.wait_indirect_dma semaphore(%run_scoped3A_155 : memref<!tpu.dma_semaphore, #tpu.memory_space<semaphore_mem>>) src(%arg12 : memref<128x128xf32, #tpu.memory_space<vmem>>) dst(%dma_wait3A_167 : memref<10112x128xf32, #tpu.memory_space<vmem_shared>>)
        tpu.yield
      }) : () -> ()
      %dma_start3A_132 = arith.constant 7 : i32
      %dma_start3A_133 = arith.constant 0 : i32
      %dma_start3A_134 = tpu.memref_slice %arg9[%dma_start3A_132, %dma_start3A_133] : memref<8x128xi32, #tpu.memory_space<vmem>> -> memref<1x128xi32, #tpu.memory_space<vmem>>
      %dma_start3A_135 = tpu.memref_squeeze %dma_start3A_134 : memref<1x128xi32, #tpu.memory_space<vmem>> -> memref<128xi32, #tpu.memory_space<vmem>>
      %dma_start3A_136 = arith.constant 0 : i32
      %dma_start3A_137 = arith.constant 0 : i32
      %dma_start3A_138 = tpu.memref_slice %arg2[%dma_start3A_136, %dma_start3A_137] : memref<10000x128xf32, #tpu.memory_space<hbm>> -> memref<10000x128xf32, #tpu.memory_space<hbm>>
      tpu.enqueue_indirect_dma source(%dma_start3A_138 : memref<10000x128xf32, #tpu.memory_space<hbm>>) target(%arg12 : memref<128x128xf32, #tpu.memory_space<vmem>>) offsets(%dma_start3A_135 : memref<128xi32, #tpu.memory_space<vmem>>) semaphore(%arg15 : memref<!tpu.dma_semaphore, #tpu.memory_space<semaphore_mem>>)
      %dma_wait3A_139 = arith.constant 6 : i32
      %dma_wait3A_140 = arith.constant 0 : i32
      %dma_wait3A_141 = tpu.memref_slice %arg9[%dma_wait3A_139, %dma_wait3A_140] : memref<8x128xi32, #tpu.memory_space<vmem>> -> memref<1x128xi32, #tpu.memory_space<vmem>>
      %dma_wait3A_142 = tpu.memref_squeeze %dma_wait3A_141 : memref<1x128xi32, #tpu.memory_space<vmem>> -> memref<128xi32, #tpu.memory_space<vmem>>
      %dma_wait3A_143 = arith.constant 0 : i32
      %dma_wait3A_144 = arith.constant 0 : i32
      %dma_wait3A_145 = tpu.memref_slice %arg2[%dma_wait3A_143, %dma_wait3A_144] : memref<10000x128xf32, #tpu.memory_space<hbm>> -> memref<10000x128xf32, #tpu.memory_space<hbm>>
      tpu.wait_indirect_dma semaphore(%arg14 : memref<!tpu.dma_semaphore, #tpu.memory_space<semaphore_mem>>) src(%dma_wait3A_145 : memref<10000x128xf32, #tpu.memory_space<hbm>>) dst(%arg11 : memref<128x128xf32, #tpu.memory_space<vmem>>)
      %run_scoped3A_146 = arith.constant 6 : i32
      "tpu.region"() ({
        %run_scoped3A_155 = tpu.sem_alloc : memref<!tpu.dma_semaphore, #tpu.memory_space<semaphore_mem>>
        %dma_start3A_156 = arith.constant 0 : i32
        %dma_start3A_157 = tpu.memref_slice %arg10[%run_scoped3A_146, %dma_start3A_156] : memref<8x128xi32, #tpu.memory_space<vmem>> -> memref<1x128xi32, #tpu.memory_space<vmem>>
        %dma_start3A_158 = tpu.memref_squeeze %dma_start3A_157 : memref<1x128xi32, #tpu.memory_space<vmem>> -> memref<128xi32, #tpu.memory_space<vmem>>
        %dma_start3A_159 = arith.constant 0 : i32
        %dma_start3A_160 = arith.constant 0 : i32
        %dma_start3A_161 = tpu.memref_slice %arg13[%dma_start3A_159, %dma_start3A_160] : memref<10112x128xf32, #tpu.memory_space<vmem_shared>> -> memref<10112x128xf32, #tpu.memory_space<vmem_shared>>
        tpu.enqueue_indirect_dma source(%arg11 : memref<128x128xf32, #tpu.memory_space<vmem>>) target(%dma_start3A_161 : memref<10112x128xf32, #tpu.memory_space<vmem_shared>>) offsets(%dma_start3A_158 : memref<128xi32, #tpu.memory_space<vmem>>) semaphore(%run_scoped3A_155 : memref<!tpu.dma_semaphore, #tpu.memory_space<semaphore_mem>>) {add = true}
        %dma_wait3A_162 = arith.constant 0 : i32
        %dma_wait3A_163 = tpu.memref_slice %arg10[%run_scoped3A_146, %dma_wait3A_162] : memref<8x128xi32, #tpu.memory_space<vmem>> -> memref<1x128xi32, #tpu.memory_space<vmem>>
        %dma_wait3A_164 = tpu.memref_squeeze %dma_wait3A_163 : memref<1x128xi32, #tpu.memory_space<vmem>> -> memref<128xi32, #tpu.memory_space<vmem>>
        %dma_wait3A_165 = arith.constant 0 : i32
        %dma_wait3A_166 = arith.constant 0 : i32
        %dma_wait3A_167 = tpu.memref_slice %arg13[%dma_wait3A_165, %dma_wait3A_166] : memref<10112x128xf32, #tpu.memory_space<vmem_shared>> -> memref<10112x128xf32, #tpu.memory_space<vmem_shared>>
        tpu.wait_indirect_dma semaphore(%run_scoped3A_155 : memref<!tpu.dma_semaphore, #tpu.memory_space<semaphore_mem>>) src(%arg11 : memref<128x128xf32, #tpu.memory_space<vmem>>) dst(%dma_wait3A_167 : memref<10112x128xf32, #tpu.memory_space<vmem_shared>>)
        tpu.yield
      }) : () -> ()
      %dma_wait3A_147 = arith.constant 7 : i32
      %dma_wait3A_148 = arith.constant 0 : i32
      %dma_wait3A_149 = tpu.memref_slice %arg9[%dma_wait3A_147, %dma_wait3A_148] : memref<8x128xi32, #tpu.memory_space<vmem>> -> memref<1x128xi32, #tpu.memory_space<vmem>>
      %dma_wait3A_150 = tpu.memref_squeeze %dma_wait3A_149 : memref<1x128xi32, #tpu.memory_space<vmem>> -> memref<128xi32, #tpu.memory_space<vmem>>
      %dma_wait3A_151 = arith.constant 0 : i32
      %dma_wait3A_152 = arith.constant 0 : i32
      %dma_wait3A_153 = tpu.memref_slice %arg2[%dma_wait3A_151, %dma_wait3A_152] : memref<10000x128xf32, #tpu.memory_space<hbm>> -> memref<10000x128xf32, #tpu.memory_space<hbm>>
      tpu.wait_indirect_dma semaphore(%arg15 : memref<!tpu.dma_semaphore, #tpu.memory_space<semaphore_mem>>) src(%dma_wait3A_153 : memref<10000x128xf32, #tpu.memory_space<hbm>>) dst(%arg12 : memref<128x128xf32, #tpu.memory_space<vmem>>)
      %run_scoped3A_154 = arith.constant 7 : i32
      "tpu.region"() ({
        %run_scoped3A_155 = tpu.sem_alloc : memref<!tpu.dma_semaphore, #tpu.memory_space<semaphore_mem>>
        %dma_start3A_156 = arith.constant 0 : i32
        %dma_start3A_157 = tpu.memref_slice %arg10[%run_scoped3A_154, %dma_start3A_156] : memref<8x128xi32, #tpu.memory_space<vmem>> -> memref<1x128xi32, #tpu.memory_space<vmem>>
        %dma_start3A_158 = tpu.memref_squeeze %dma_start3A_157 : memref<1x128xi32, #tpu.memory_space<vmem>> -> memref<128xi32, #tpu.memory_space<vmem>>
        %dma_start3A_159 = arith.constant 0 : i32
        %dma_start3A_160 = arith.constant 0 : i32
        %dma_start3A_161 = tpu.memref_slice %arg13[%dma_start3A_159, %dma_start3A_160] : memref<10112x128xf32, #tpu.memory_space<vmem_shared>> -> memref<10112x128xf32, #tpu.memory_space<vmem_shared>>
        tpu.enqueue_indirect_dma source(%arg12 : memref<128x128xf32, #tpu.memory_space<vmem>>) target(%dma_start3A_161 : memref<10112x128xf32, #tpu.memory_space<vmem_shared>>) offsets(%dma_start3A_158 : memref<128xi32, #tpu.memory_space<vmem>>) semaphore(%run_scoped3A_155 : memref<!tpu.dma_semaphore, #tpu.memory_space<semaphore_mem>>) {add = true}
        %dma_wait3A_162 = arith.constant 0 : i32
        %dma_wait3A_163 = tpu.memref_slice %arg10[%run_scoped3A_154, %dma_wait3A_162] : memref<8x128xi32, #tpu.memory_space<vmem>> -> memref<1x128xi32, #tpu.memory_space<vmem>>
        %dma_wait3A_164 = tpu.memref_squeeze %dma_wait3A_163 : memref<1x128xi32, #tpu.memory_space<vmem>> -> memref<128xi32, #tpu.memory_space<vmem>>
        %dma_wait3A_165 = arith.constant 0 : i32
        %dma_wait3A_166 = arith.constant 0 : i32
        %dma_wait3A_167 = tpu.memref_slice %arg13[%dma_wait3A_165, %dma_wait3A_166] : memref<10112x128xf32, #tpu.memory_space<vmem_shared>> -> memref<10112x128xf32, #tpu.memory_space<vmem_shared>>
        tpu.wait_indirect_dma semaphore(%run_scoped3A_155 : memref<!tpu.dma_semaphore, #tpu.memory_space<semaphore_mem>>) src(%arg12 : memref<128x128xf32, #tpu.memory_space<vmem>>) dst(%dma_wait3A_167 : memref<10112x128xf32, #tpu.memory_space<vmem_shared>>)
        tpu.yield
      }) : () -> ()
    }
    %barrier3A_20 = arith.constant 0 : index
    tpu.barrier barrier_id(%barrier3A_20)
    "tpu.region"() ({
      %run_scoped3A = tpu.sem_alloc : memref<!tpu.dma_semaphore, #tpu.memory_space<semaphore_mem>>
      %dma_start3A = arith.constant 0 : i32
      %dma_start3A_34 = tpu.memref_slice %arg7[%arg0, %mul3A_0, %dma_start3A] : memref<2x10112x128xf32, #tpu.memory_space<hbm>> -> memref<1x632x128xf32, #tpu.memory_space<hbm>>
      %dma_start3A_35 = tpu.memref_squeeze %dma_start3A_34 : memref<1x632x128xf32, #tpu.memory_space<hbm>> -> memref<632x128xf32, #tpu.memory_space<hbm>>
      %dma_start3A_36 = arith.constant 0 : i32
      %dma_start3A_37 = tpu.memref_slice %arg13[%mul3A_0, %dma_start3A_36] : memref<10112x128xf32, #tpu.memory_space<vmem_shared>> -> memref<632x128xf32, #tpu.memory_space<vmem_shared>>
      tpu.enqueue_dma source(%dma_start3A_37 : memref<632x128xf32, #tpu.memory_space<vmem_shared>>) target(%dma_start3A_35 : memref<632x128xf32, #tpu.memory_space<hbm>>) target_semaphore(%run_scoped3A : memref<!tpu.dma_semaphore, #tpu.memory_space<semaphore_mem>>)
      %dma_wait3A = arith.constant 0 : i32
      %dma_wait3A_38 = tpu.memref_slice %arg7[%arg0, %mul3A_0, %dma_wait3A] : memref<2x10112x128xf32, #tpu.memory_space<hbm>> -> memref<1x632x128xf32, #tpu.memory_space<hbm>>
      %dma_wait3A_39 = tpu.memref_squeeze %dma_wait3A_38 : memref<1x632x128xf32, #tpu.memory_space<hbm>> -> memref<632x128xf32, #tpu.memory_space<hbm>>
      %dma_wait3A_40 = arith.constant 0 : i32
      %dma_wait3A_41 = tpu.memref_slice %arg13[%mul3A_0, %dma_wait3A_40] : memref<10112x128xf32, #tpu.memory_space<vmem_shared>> -> memref<632x128xf32, #tpu.memory_space<vmem_shared>>
      tpu.wait_dma2 semaphore(%run_scoped3A : memref<!tpu.dma_semaphore, #tpu.memory_space<semaphore_mem>>) src(%dma_wait3A_41 : memref<632x128xf32, #tpu.memory_space<vmem_shared>>) dst(%dma_wait3A_39 : memref<632x128xf32, #tpu.memory_space<hbm>>)
      tpu.yield
    }) : () -> ()
    %barrier3A_21 = arith.constant 0 : index
    tpu.barrier barrier_id(%barrier3A_21)
    "tpu.region"() ({
      %run_scoped3A = tpu.sem_alloc : memref<!tpu.dma_semaphore, #tpu.memory_space<semaphore_mem>>
      %dma_start3A = arith.constant 0 : i32
      %dma_start3A_34 = tpu.memref_slice %arg13[%mul3A_0, %dma_start3A] : memref<10112x128xf32, #tpu.memory_space<vmem_shared>> -> memref<632x128xf32, #tpu.memory_space<vmem_shared>>
      tpu.enqueue_dma source(%arg5 : memref<632x128xf32, #tpu.memory_space<hbm>>) target(%dma_start3A_34 : memref<632x128xf32, #tpu.memory_space<vmem_shared>>) target_semaphore(%run_scoped3A : memref<!tpu.dma_semaphore, #tpu.memory_space<semaphore_mem>>)
      %dma_wait3A = arith.constant 0 : i32
      %dma_wait3A_35 = tpu.memref_slice %arg13[%mul3A_0, %dma_wait3A] : memref<10112x128xf32, #tpu.memory_space<vmem_shared>> -> memref<632x128xf32, #tpu.memory_space<vmem_shared>>
      tpu.wait_dma2 semaphore(%run_scoped3A : memref<!tpu.dma_semaphore, #tpu.memory_space<semaphore_mem>>) src(%arg5 : memref<632x128xf32, #tpu.memory_space<hbm>>) dst(%dma_wait3A_35 : memref<632x128xf32, #tpu.memory_space<vmem_shared>>)
      tpu.yield
    }) : () -> ()
    "tpu.region"() ({
      %run_scoped3A = tpu.sem_alloc : memref<!tpu.dma_semaphore, #tpu.memory_space<semaphore_mem>>
      tpu.enqueue_dma source(%arg6 : memref<128x128xf32, #tpu.memory_space<hbm>>) target(%arg11 : memref<128x128xf32, #tpu.memory_space<vmem>>) target_semaphore(%run_scoped3A : memref<!tpu.dma_semaphore, #tpu.memory_space<semaphore_mem>>)
      tpu.wait_dma2 semaphore(%run_scoped3A : memref<!tpu.dma_semaphore, #tpu.memory_space<semaphore_mem>>) src(%arg6 : memref<128x128xf32, #tpu.memory_space<hbm>>) dst(%arg11 : memref<128x128xf32, #tpu.memory_space<vmem>>)
      tpu.yield
    }) : () -> ()
    %barrier3A_22 = arith.constant 0 : index
    tpu.barrier barrier_id(%barrier3A_22)
    %while3A_23 = arith.constant 0 : i32
    %while3A_24 = arith.constant 0 : i32
    %while3A_25 = arith.subi %select_n3A, %while3A_24 : i32
    %while3A_26 = arith.addi %while3A_24, %while3A_25 : i32
    %while3A_27 = arith.constant 1 : i32
    %while3A_28 = arith.divsi %while3A_25, %while3A_27 : i32
    %while3A_29 = arith.muli %while3A_28, %while3A_27 : i32
    %while3A_30 = arith.addi %while3A_24, %while3A_29 : i32
    %while3A_31 = arith.constant 1 : i32
    scf.for %while3A_34 = %while3A_24 to %while3A_30 step %while3A_31  : i32 {
      %mul3A_35 = arith.constant 8 : i32
      %mul3A_36 = arith.muli %while3A_34, %mul3A_35 : i32
      %add3A_37 = arith.addi %select_n3A_10, %mul3A_36 : i32
      "tpu.region"() ({
        %run_scoped3A = tpu.sem_alloc : memref<!tpu.dma_semaphore, #tpu.memory_space<semaphore_mem>>
        %dma_start3A_148 = arith.constant 0 : i32
        %dma_start3A_149 = tpu.memref_slice %arg4[%add3A_37, %dma_start3A_148] : memref<2560x128xi32, #tpu.memory_space<hbm>> -> memref<8x128xi32, #tpu.memory_space<hbm>>
        %dma_start3A_150 = arith.constant 0 : i32
        %dma_start3A_151 = tpu.memref_slice %arg4[%add3A_37, %dma_start3A_150] : memref<2560x128xi32, #tpu.memory_space<hbm>> -> memref<8x128xi32, #tpu.memory_space<hbm>>
        tpu.enqueue_dma source(%dma_start3A_151 : memref<8x128xi32, #tpu.memory_space<hbm>>) target(%arg10 : memref<8x128xi32, #tpu.memory_space<vmem>>) target_semaphore(%run_scoped3A : memref<!tpu.dma_semaphore, #tpu.memory_space<semaphore_mem>>)
        %dma_wait3A_152 = arith.constant 0 : i32
        %dma_wait3A_153 = tpu.memref_slice %arg4[%add3A_37, %dma_wait3A_152] : memref<2560x128xi32, #tpu.memory_space<hbm>> -> memref<8x128xi32, #tpu.memory_space<hbm>>
        %dma_wait3A_154 = arith.constant 0 : i32
        %dma_wait3A_155 = tpu.memref_slice %arg4[%add3A_37, %dma_wait3A_154] : memref<2560x128xi32, #tpu.memory_space<hbm>> -> memref<8x128xi32, #tpu.memory_space<hbm>>
        tpu.wait_dma2 semaphore(%run_scoped3A : memref<!tpu.dma_semaphore, #tpu.memory_space<semaphore_mem>>) src(%dma_wait3A_155 : memref<8x128xi32, #tpu.memory_space<hbm>>) dst(%arg10 : memref<8x128xi32, #tpu.memory_space<vmem>>)
        tpu.yield
      }) : () -> ()
      %dma_start3A = arith.constant 0 : i32
      %dma_start3A_38 = arith.constant 0 : i32
      %dma_start3A_39 = tpu.memref_slice %arg10[%dma_start3A, %dma_start3A_38] : memref<8x128xi32, #tpu.memory_space<vmem>> -> memref<1x128xi32, #tpu.memory_space<vmem>>
      %dma_start3A_40 = tpu.memref_squeeze %dma_start3A_39 : memref<1x128xi32, #tpu.memory_space<vmem>> -> memref<128xi32, #tpu.memory_space<vmem>>
      %dma_start3A_41 = arith.constant 0 : i32
      %dma_start3A_42 = arith.constant 0 : i32
      %dma_start3A_43 = tpu.memref_slice %arg13[%dma_start3A_41, %dma_start3A_42] : memref<10112x128xf32, #tpu.memory_space<vmem_shared>> -> memref<10112x128xf32, #tpu.memory_space<vmem_shared>>
      tpu.enqueue_indirect_dma source(%arg11 : memref<128x128xf32, #tpu.memory_space<vmem>>) target(%dma_start3A_43 : memref<10112x128xf32, #tpu.memory_space<vmem_shared>>) offsets(%dma_start3A_40 : memref<128xi32, #tpu.memory_space<vmem>>) semaphore(%arg16 : memref<!tpu.dma_semaphore, #tpu.memory_space<semaphore_mem>>) {add = true}
      %dma_start3A_44 = arith.constant 1 : i32
      %dma_start3A_45 = arith.constant 0 : i32
      %dma_start3A_46 = tpu.memref_slice %arg10[%dma_start3A_44, %dma_start3A_45] : memref<8x128xi32, #tpu.memory_space<vmem>> -> memref<1x128xi32, #tpu.memory_space<vmem>>
      %dma_start3A_47 = tpu.memref_squeeze %dma_start3A_46 : memref<1x128xi32, #tpu.memory_space<vmem>> -> memref<128xi32, #tpu.memory_space<vmem>>
      %dma_start3A_48 = arith.constant 0 : i32
      %dma_start3A_49 = arith.constant 0 : i32
      %dma_start3A_50 = tpu.memref_slice %arg13[%dma_start3A_48, %dma_start3A_49] : memref<10112x128xf32, #tpu.memory_space<vmem_shared>> -> memref<10112x128xf32, #tpu.memory_space<vmem_shared>>
      tpu.enqueue_indirect_dma source(%arg11 : memref<128x128xf32, #tpu.memory_space<vmem>>) target(%dma_start3A_50 : memref<10112x128xf32, #tpu.memory_space<vmem_shared>>) offsets(%dma_start3A_47 : memref<128xi32, #tpu.memory_space<vmem>>) semaphore(%arg16 : memref<!tpu.dma_semaphore, #tpu.memory_space<semaphore_mem>>) {add = true}
      %dma_start3A_51 = arith.constant 2 : i32
      %dma_start3A_52 = arith.constant 0 : i32
      %dma_start3A_53 = tpu.memref_slice %arg10[%dma_start3A_51, %dma_start3A_52] : memref<8x128xi32, #tpu.memory_space<vmem>> -> memref<1x128xi32, #tpu.memory_space<vmem>>
      %dma_start3A_54 = tpu.memref_squeeze %dma_start3A_53 : memref<1x128xi32, #tpu.memory_space<vmem>> -> memref<128xi32, #tpu.memory_space<vmem>>
      %dma_start3A_55 = arith.constant 0 : i32
      %dma_start3A_56 = arith.constant 0 : i32
      %dma_start3A_57 = tpu.memref_slice %arg13[%dma_start3A_55, %dma_start3A_56] : memref<10112x128xf32, #tpu.memory_space<vmem_shared>> -> memref<10112x128xf32, #tpu.memory_space<vmem_shared>>
      tpu.enqueue_indirect_dma source(%arg11 : memref<128x128xf32, #tpu.memory_space<vmem>>) target(%dma_start3A_57 : memref<10112x128xf32, #tpu.memory_space<vmem_shared>>) offsets(%dma_start3A_54 : memref<128xi32, #tpu.memory_space<vmem>>) semaphore(%arg16 : memref<!tpu.dma_semaphore, #tpu.memory_space<semaphore_mem>>) {add = true}
      %dma_start3A_58 = arith.constant 3 : i32
      %dma_start3A_59 = arith.constant 0 : i32
      %dma_start3A_60 = tpu.memref_slice %arg10[%dma_start3A_58, %dma_start3A_59] : memref<8x128xi32, #tpu.memory_space<vmem>> -> memref<1x128xi32, #tpu.memory_space<vmem>>
      %dma_start3A_61 = tpu.memref_squeeze %dma_start3A_60 : memref<1x128xi32, #tpu.memory_space<vmem>> -> memref<128xi32, #tpu.memory_space<vmem>>
      %dma_start3A_62 = arith.constant 0 : i32
      %dma_start3A_63 = arith.constant 0 : i32
      %dma_start3A_64 = tpu.memref_slice %arg13[%dma_start3A_62, %dma_start3A_63] : memref<10112x128xf32, #tpu.memory_space<vmem_shared>> -> memref<10112x128xf32, #tpu.memory_space<vmem_shared>>
      tpu.enqueue_indirect_dma source(%arg11 : memref<128x128xf32, #tpu.memory_space<vmem>>) target(%dma_start3A_64 : memref<10112x128xf32, #tpu.memory_space<vmem_shared>>) offsets(%dma_start3A_61 : memref<128xi32, #tpu.memory_space<vmem>>) semaphore(%arg16 : memref<!tpu.dma_semaphore, #tpu.memory_space<semaphore_mem>>) {add = true}
      %dma_start3A_65 = arith.constant 4 : i32
      %dma_start3A_66 = arith.constant 0 : i32
      %dma_start3A_67 = tpu.memref_slice %arg10[%dma_start3A_65, %dma_start3A_66] : memref<8x128xi32, #tpu.memory_space<vmem>> -> memref<1x128xi32, #tpu.memory_space<vmem>>
      %dma_start3A_68 = tpu.memref_squeeze %dma_start3A_67 : memref<1x128xi32, #tpu.memory_space<vmem>> -> memref<128xi32, #tpu.memory_space<vmem>>
      %dma_start3A_69 = arith.constant 0 : i32
      %dma_start3A_70 = arith.constant 0 : i32
      %dma_start3A_71 = tpu.memref_slice %arg13[%dma_start3A_69, %dma_start3A_70] : memref<10112x128xf32, #tpu.memory_space<vmem_shared>> -> memref<10112x128xf32, #tpu.memory_space<vmem_shared>>
      tpu.enqueue_indirect_dma source(%arg11 : memref<128x128xf32, #tpu.memory_space<vmem>>) target(%dma_start3A_71 : memref<10112x128xf32, #tpu.memory_space<vmem_shared>>) offsets(%dma_start3A_68 : memref<128xi32, #tpu.memory_space<vmem>>) semaphore(%arg16 : memref<!tpu.dma_semaphore, #tpu.memory_space<semaphore_mem>>) {add = true}
      %dma_start3A_72 = arith.constant 5 : i32
      %dma_start3A_73 = arith.constant 0 : i32
      %dma_start3A_74 = tpu.memref_slice %arg10[%dma_start3A_72, %dma_start3A_73] : memref<8x128xi32, #tpu.memory_space<vmem>> -> memref<1x128xi32, #tpu.memory_space<vmem>>
      %dma_start3A_75 = tpu.memref_squeeze %dma_start3A_74 : memref<1x128xi32, #tpu.memory_space<vmem>> -> memref<128xi32, #tpu.memory_space<vmem>>
      %dma_start3A_76 = arith.constant 0 : i32
      %dma_start3A_77 = arith.constant 0 : i32
      %dma_start3A_78 = tpu.memref_slice %arg13[%dma_start3A_76, %dma_start3A_77] : memref<10112x128xf32, #tpu.memory_space<vmem_shared>> -> memref<10112x128xf32, #tpu.memory_space<vmem_shared>>
      tpu.enqueue_indirect_dma source(%arg11 : memref<128x128xf32, #tpu.memory_space<vmem>>) target(%dma_start3A_78 : memref<10112x128xf32, #tpu.memory_space<vmem_shared>>) offsets(%dma_start3A_75 : memref<128xi32, #tpu.memory_space<vmem>>) semaphore(%arg16 : memref<!tpu.dma_semaphore, #tpu.memory_space<semaphore_mem>>) {add = true}
      %dma_start3A_79 = arith.constant 6 : i32
      %dma_start3A_80 = arith.constant 0 : i32
      %dma_start3A_81 = tpu.memref_slice %arg10[%dma_start3A_79, %dma_start3A_80] : memref<8x128xi32, #tpu.memory_space<vmem>> -> memref<1x128xi32, #tpu.memory_space<vmem>>
      %dma_start3A_82 = tpu.memref_squeeze %dma_start3A_81 : memref<1x128xi32, #tpu.memory_space<vmem>> -> memref<128xi32, #tpu.memory_space<vmem>>
      %dma_start3A_83 = arith.constant 0 : i32
      %dma_start3A_84 = arith.constant 0 : i32
      %dma_start3A_85 = tpu.memref_slice %arg13[%dma_start3A_83, %dma_start3A_84] : memref<10112x128xf32, #tpu.memory_space<vmem_shared>> -> memref<10112x128xf32, #tpu.memory_space<vmem_shared>>
      tpu.enqueue_indirect_dma source(%arg11 : memref<128x128xf32, #tpu.memory_space<vmem>>) target(%dma_start3A_85 : memref<10112x128xf32, #tpu.memory_space<vmem_shared>>) offsets(%dma_start3A_82 : memref<128xi32, #tpu.memory_space<vmem>>) semaphore(%arg16 : memref<!tpu.dma_semaphore, #tpu.memory_space<semaphore_mem>>) {add = true}
      %dma_start3A_86 = arith.constant 7 : i32
      %dma_start3A_87 = arith.constant 0 : i32
      %dma_start3A_88 = tpu.memref_slice %arg10[%dma_start3A_86, %dma_start3A_87] : memref<8x128xi32, #tpu.memory_space<vmem>> -> memref<1x128xi32, #tpu.memory_space<vmem>>
      %dma_start3A_89 = tpu.memref_squeeze %dma_start3A_88 : memref<1x128xi32, #tpu.memory_space<vmem>> -> memref<128xi32, #tpu.memory_space<vmem>>
      %dma_start3A_90 = arith.constant 0 : i32
      %dma_start3A_91 = arith.constant 0 : i32
      %dma_start3A_92 = tpu.memref_slice %arg13[%dma_start3A_90, %dma_start3A_91] : memref<10112x128xf32, #tpu.memory_space<vmem_shared>> -> memref<10112x128xf32, #tpu.memory_space<vmem_shared>>
      tpu.enqueue_indirect_dma source(%arg11 : memref<128x128xf32, #tpu.memory_space<vmem>>) target(%dma_start3A_92 : memref<10112x128xf32, #tpu.memory_space<vmem_shared>>) offsets(%dma_start3A_89 : memref<128xi32, #tpu.memory_space<vmem>>) semaphore(%arg16 : memref<!tpu.dma_semaphore, #tpu.memory_space<semaphore_mem>>) {add = true}
      %dma_wait3A = arith.constant 0 : i32
      %dma_wait3A_93 = arith.constant 0 : i32
      %dma_wait3A_94 = tpu.memref_slice %arg10[%dma_wait3A, %dma_wait3A_93] : memref<8x128xi32, #tpu.memory_space<vmem>> -> memref<1x128xi32, #tpu.memory_space<vmem>>
      %dma_wait3A_95 = tpu.memref_squeeze %dma_wait3A_94 : memref<1x128xi32, #tpu.memory_space<vmem>> -> memref<128xi32, #tpu.memory_space<vmem>>
      %dma_wait3A_96 = arith.constant 0 : i32
      %dma_wait3A_97 = arith.constant 0 : i32
      %dma_wait3A_98 = tpu.memref_slice %arg13[%dma_wait3A_96, %dma_wait3A_97] : memref<10112x128xf32, #tpu.memory_space<vmem_shared>> -> memref<10112x128xf32, #tpu.memory_space<vmem_shared>>
      tpu.wait_indirect_dma semaphore(%arg16 : memref<!tpu.dma_semaphore, #tpu.memory_space<semaphore_mem>>) src(%arg11 : memref<128x128xf32, #tpu.memory_space<vmem>>) dst(%dma_wait3A_98 : memref<10112x128xf32, #tpu.memory_space<vmem_shared>>)
      %dma_wait3A_99 = arith.constant 1 : i32
      %dma_wait3A_100 = arith.constant 0 : i32
      %dma_wait3A_101 = tpu.memref_slice %arg10[%dma_wait3A_99, %dma_wait3A_100] : memref<8x128xi32, #tpu.memory_space<vmem>> -> memref<1x128xi32, #tpu.memory_space<vmem>>
      %dma_wait3A_102 = tpu.memref_squeeze %dma_wait3A_101 : memref<1x128xi32, #tpu.memory_space<vmem>> -> memref<128xi32, #tpu.memory_space<vmem>>
      %dma_wait3A_103 = arith.constant 0 : i32
      %dma_wait3A_104 = arith.constant 0 : i32
      %dma_wait3A_105 = tpu.memref_slice %arg13[%dma_wait3A_103, %dma_wait3A_104] : memref<10112x128xf32, #tpu.memory_space<vmem_shared>> -> memref<10112x128xf32, #tpu.memory_space<vmem_shared>>
      tpu.wait_indirect_dma semaphore(%arg16 : memref<!tpu.dma_semaphore, #tpu.memory_space<semaphore_mem>>) src(%arg11 : memref<128x128xf32, #tpu.memory_space<vmem>>) dst(%dma_wait3A_105 : memref<10112x128xf32, #tpu.memory_space<vmem_shared>>)
      %dma_wait3A_106 = arith.constant 2 : i32
      %dma_wait3A_107 = arith.constant 0 : i32
      %dma_wait3A_108 = tpu.memref_slice %arg10[%dma_wait3A_106, %dma_wait3A_107] : memref<8x128xi32, #tpu.memory_space<vmem>> -> memref<1x128xi32, #tpu.memory_space<vmem>>
      %dma_wait3A_109 = tpu.memref_squeeze %dma_wait3A_108 : memref<1x128xi32, #tpu.memory_space<vmem>> -> memref<128xi32, #tpu.memory_space<vmem>>
      %dma_wait3A_110 = arith.constant 0 : i32
      %dma_wait3A_111 = arith.constant 0 : i32
      %dma_wait3A_112 = tpu.memref_slice %arg13[%dma_wait3A_110, %dma_wait3A_111] : memref<10112x128xf32, #tpu.memory_space<vmem_shared>> -> memref<10112x128xf32, #tpu.memory_space<vmem_shared>>
      tpu.wait_indirect_dma semaphore(%arg16 : memref<!tpu.dma_semaphore, #tpu.memory_space<semaphore_mem>>) src(%arg11 : memref<128x128xf32, #tpu.memory_space<vmem>>) dst(%dma_wait3A_112 : memref<10112x128xf32, #tpu.memory_space<vmem_shared>>)
      %dma_wait3A_113 = arith.constant 3 : i32
      %dma_wait3A_114 = arith.constant 0 : i32
      %dma_wait3A_115 = tpu.memref_slice %arg10[%dma_wait3A_113, %dma_wait3A_114] : memref<8x128xi32, #tpu.memory_space<vmem>> -> memref<1x128xi32, #tpu.memory_space<vmem>>
      %dma_wait3A_116 = tpu.memref_squeeze %dma_wait3A_115 : memref<1x128xi32, #tpu.memory_space<vmem>> -> memref<128xi32, #tpu.memory_space<vmem>>
      %dma_wait3A_117 = arith.constant 0 : i32
      %dma_wait3A_118 = arith.constant 0 : i32
      %dma_wait3A_119 = tpu.memref_slice %arg13[%dma_wait3A_117, %dma_wait3A_118] : memref<10112x128xf32, #tpu.memory_space<vmem_shared>> -> memref<10112x128xf32, #tpu.memory_space<vmem_shared>>
      tpu.wait_indirect_dma semaphore(%arg16 : memref<!tpu.dma_semaphore, #tpu.memory_space<semaphore_mem>>) src(%arg11 : memref<128x128xf32, #tpu.memory_space<vmem>>) dst(%dma_wait3A_119 : memref<10112x128xf32, #tpu.memory_space<vmem_shared>>)
      %dma_wait3A_120 = arith.constant 4 : i32
      %dma_wait3A_121 = arith.constant 0 : i32
      %dma_wait3A_122 = tpu.memref_slice %arg10[%dma_wait3A_120, %dma_wait3A_121] : memref<8x128xi32, #tpu.memory_space<vmem>> -> memref<1x128xi32, #tpu.memory_space<vmem>>
      %dma_wait3A_123 = tpu.memref_squeeze %dma_wait3A_122 : memref<1x128xi32, #tpu.memory_space<vmem>> -> memref<128xi32, #tpu.memory_space<vmem>>
      %dma_wait3A_124 = arith.constant 0 : i32
      %dma_wait3A_125 = arith.constant 0 : i32
      %dma_wait3A_126 = tpu.memref_slice %arg13[%dma_wait3A_124, %dma_wait3A_125] : memref<10112x128xf32, #tpu.memory_space<vmem_shared>> -> memref<10112x128xf32, #tpu.memory_space<vmem_shared>>
      tpu.wait_indirect_dma semaphore(%arg16 : memref<!tpu.dma_semaphore, #tpu.memory_space<semaphore_mem>>) src(%arg11 : memref<128x128xf32, #tpu.memory_space<vmem>>) dst(%dma_wait3A_126 : memref<10112x128xf32, #tpu.memory_space<vmem_shared>>)
      %dma_wait3A_127 = arith.constant 5 : i32
      %dma_wait3A_128 = arith.constant 0 : i32
      %dma_wait3A_129 = tpu.memref_slice %arg10[%dma_wait3A_127, %dma_wait3A_128] : memref<8x128xi32, #tpu.memory_space<vmem>> -> memref<1x128xi32, #tpu.memory_space<vmem>>
      %dma_wait3A_130 = tpu.memref_squeeze %dma_wait3A_129 : memref<1x128xi32, #tpu.memory_space<vmem>> -> memref<128xi32, #tpu.memory_space<vmem>>
      %dma_wait3A_131 = arith.constant 0 : i32
      %dma_wait3A_132 = arith.constant 0 : i32
      %dma_wait3A_133 = tpu.memref_slice %arg13[%dma_wait3A_131, %dma_wait3A_132] : memref<10112x128xf32, #tpu.memory_space<vmem_shared>> -> memref<10112x128xf32, #tpu.memory_space<vmem_shared>>
      tpu.wait_indirect_dma semaphore(%arg16 : memref<!tpu.dma_semaphore, #tpu.memory_space<semaphore_mem>>) src(%arg11 : memref<128x128xf32, #tpu.memory_space<vmem>>) dst(%dma_wait3A_133 : memref<10112x128xf32, #tpu.memory_space<vmem_shared>>)
      %dma_wait3A_134 = arith.constant 6 : i32
      %dma_wait3A_135 = arith.constant 0 : i32
      %dma_wait3A_136 = tpu.memref_slice %arg10[%dma_wait3A_134, %dma_wait3A_135] : memref<8x128xi32, #tpu.memory_space<vmem>> -> memref<1x128xi32, #tpu.memory_space<vmem>>
      %dma_wait3A_137 = tpu.memref_squeeze %dma_wait3A_136 : memref<1x128xi32, #tpu.memory_space<vmem>> -> memref<128xi32, #tpu.memory_space<vmem>>
      %dma_wait3A_138 = arith.constant 0 : i32
      %dma_wait3A_139 = arith.constant 0 : i32
      %dma_wait3A_140 = tpu.memref_slice %arg13[%dma_wait3A_138, %dma_wait3A_139] : memref<10112x128xf32, #tpu.memory_space<vmem_shared>> -> memref<10112x128xf32, #tpu.memory_space<vmem_shared>>
      tpu.wait_indirect_dma semaphore(%arg16 : memref<!tpu.dma_semaphore, #tpu.memory_space<semaphore_mem>>) src(%arg11 : memref<128x128xf32, #tpu.memory_space<vmem>>) dst(%dma_wait3A_140 : memref<10112x128xf32, #tpu.memory_space<vmem_shared>>)
      %dma_wait3A_141 = arith.constant 7 : i32
      %dma_wait3A_142 = arith.constant 0 : i32
      %dma_wait3A_143 = tpu.memref_slice %arg10[%dma_wait3A_141, %dma_wait3A_142] : memref<8x128xi32, #tpu.memory_space<vmem>> -> memref<1x128xi32, #tpu.memory_space<vmem>>
      %dma_wait3A_144 = tpu.memref_squeeze %dma_wait3A_143 : memref<1x128xi32, #tpu.memory_space<vmem>> -> memref<128xi32, #tpu.memory_space<vmem>>
      %dma_wait3A_145 = arith.constant 0 : i32
      %dma_wait3A_146 = arith.constant 0 : i32
      %dma_wait3A_147 = tpu.memref_slice %arg13[%dma_wait3A_145, %dma_wait3A_146] : memref<10112x128xf32, #tpu.memory_space<vmem_shared>> -> memref<10112x128xf32, #tpu.memory_space<vmem_shared>>
      tpu.wait_indirect_dma semaphore(%arg16 : memref<!tpu.dma_semaphore, #tpu.memory_space<semaphore_mem>>) src(%arg11 : memref<128x128xf32, #tpu.memory_space<vmem>>) dst(%dma_wait3A_147 : memref<10112x128xf32, #tpu.memory_space<vmem_shared>>)
    }
    %while3A_32 = arith.constant 1 : i32
    scf.for %while3A_34 = %while3A_30 to %while3A_26 step %while3A_32  : i32 {
      %mul3A_35 = arith.constant 8 : i32
      %mul3A_36 = arith.muli %while3A_34, %mul3A_35 : i32
      %add3A_37 = arith.addi %select_n3A_10, %mul3A_36 : i32
      "tpu.region"() ({
        %run_scoped3A = tpu.sem_alloc : memref<!tpu.dma_semaphore, #tpu.memory_space<semaphore_mem>>
        %dma_start3A_148 = arith.constant 0 : i32
        %dma_start3A_149 = tpu.memref_slice %arg4[%add3A_37, %dma_start3A_148] : memref<2560x128xi32, #tpu.memory_space<hbm>> -> memref<8x128xi32, #tpu.memory_space<hbm>>
        %dma_start3A_150 = arith.constant 0 : i32
        %dma_start3A_151 = tpu.memref_slice %arg4[%add3A_37, %dma_start3A_150] : memref<2560x128xi32, #tpu.memory_space<hbm>> -> memref<8x128xi32, #tpu.memory_space<hbm>>
        tpu.enqueue_dma source(%dma_start3A_151 : memref<8x128xi32, #tpu.memory_space<hbm>>) target(%arg10 : memref<8x128xi32, #tpu.memory_space<vmem>>) target_semaphore(%run_scoped3A : memref<!tpu.dma_semaphore, #tpu.memory_space<semaphore_mem>>)
        %dma_wait3A_152 = arith.constant 0 : i32
        %dma_wait3A_153 = tpu.memref_slice %arg4[%add3A_37, %dma_wait3A_152] : memref<2560x128xi32, #tpu.memory_space<hbm>> -> memref<8x128xi32, #tpu.memory_space<hbm>>
        %dma_wait3A_154 = arith.constant 0 : i32
        %dma_wait3A_155 = tpu.memref_slice %arg4[%add3A_37, %dma_wait3A_154] : memref<2560x128xi32, #tpu.memory_space<hbm>> -> memref<8x128xi32, #tpu.memory_space<hbm>>
        tpu.wait_dma2 semaphore(%run_scoped3A : memref<!tpu.dma_semaphore, #tpu.memory_space<semaphore_mem>>) src(%dma_wait3A_155 : memref<8x128xi32, #tpu.memory_space<hbm>>) dst(%arg10 : memref<8x128xi32, #tpu.memory_space<vmem>>)
        tpu.yield
      }) : () -> ()
      %dma_start3A = arith.constant 0 : i32
      %dma_start3A_38 = arith.constant 0 : i32
      %dma_start3A_39 = tpu.memref_slice %arg10[%dma_start3A, %dma_start3A_38] : memref<8x128xi32, #tpu.memory_space<vmem>> -> memref<1x128xi32, #tpu.memory_space<vmem>>
      %dma_start3A_40 = tpu.memref_squeeze %dma_start3A_39 : memref<1x128xi32, #tpu.memory_space<vmem>> -> memref<128xi32, #tpu.memory_space<vmem>>
      %dma_start3A_41 = arith.constant 0 : i32
      %dma_start3A_42 = arith.constant 0 : i32
      %dma_start3A_43 = tpu.memref_slice %arg13[%dma_start3A_41, %dma_start3A_42] : memref<10112x128xf32, #tpu.memory_space<vmem_shared>> -> memref<10112x128xf32, #tpu.memory_space<vmem_shared>>
      tpu.enqueue_indirect_dma source(%arg11 : memref<128x128xf32, #tpu.memory_space<vmem>>) target(%dma_start3A_43 : memref<10112x128xf32, #tpu.memory_space<vmem_shared>>) offsets(%dma_start3A_40 : memref<128xi32, #tpu.memory_space<vmem>>) semaphore(%arg16 : memref<!tpu.dma_semaphore, #tpu.memory_space<semaphore_mem>>) {add = true}
      %dma_start3A_44 = arith.constant 1 : i32
      %dma_start3A_45 = arith.constant 0 : i32
      %dma_start3A_46 = tpu.memref_slice %arg10[%dma_start3A_44, %dma_start3A_45] : memref<8x128xi32, #tpu.memory_space<vmem>> -> memref<1x128xi32, #tpu.memory_space<vmem>>
      %dma_start3A_47 = tpu.memref_squeeze %dma_start3A_46 : memref<1x128xi32, #tpu.memory_space<vmem>> -> memref<128xi32, #tpu.memory_space<vmem>>
      %dma_start3A_48 = arith.constant 0 : i32
      %dma_start3A_49 = arith.constant 0 : i32
      %dma_start3A_50 = tpu.memref_slice %arg13[%dma_start3A_48, %dma_start3A_49] : memref<10112x128xf32, #tpu.memory_space<vmem_shared>> -> memref<10112x128xf32, #tpu.memory_space<vmem_shared>>
      tpu.enqueue_indirect_dma source(%arg11 : memref<128x128xf32, #tpu.memory_space<vmem>>) target(%dma_start3A_50 : memref<10112x128xf32, #tpu.memory_space<vmem_shared>>) offsets(%dma_start3A_47 : memref<128xi32, #tpu.memory_space<vmem>>) semaphore(%arg16 : memref<!tpu.dma_semaphore, #tpu.memory_space<semaphore_mem>>) {add = true}
      %dma_start3A_51 = arith.constant 2 : i32
      %dma_start3A_52 = arith.constant 0 : i32
      %dma_start3A_53 = tpu.memref_slice %arg10[%dma_start3A_51, %dma_start3A_52] : memref<8x128xi32, #tpu.memory_space<vmem>> -> memref<1x128xi32, #tpu.memory_space<vmem>>
      %dma_start3A_54 = tpu.memref_squeeze %dma_start3A_53 : memref<1x128xi32, #tpu.memory_space<vmem>> -> memref<128xi32, #tpu.memory_space<vmem>>
      %dma_start3A_55 = arith.constant 0 : i32
      %dma_start3A_56 = arith.constant 0 : i32
      %dma_start3A_57 = tpu.memref_slice %arg13[%dma_start3A_55, %dma_start3A_56] : memref<10112x128xf32, #tpu.memory_space<vmem_shared>> -> memref<10112x128xf32, #tpu.memory_space<vmem_shared>>
      tpu.enqueue_indirect_dma source(%arg11 : memref<128x128xf32, #tpu.memory_space<vmem>>) target(%dma_start3A_57 : memref<10112x128xf32, #tpu.memory_space<vmem_shared>>) offsets(%dma_start3A_54 : memref<128xi32, #tpu.memory_space<vmem>>) semaphore(%arg16 : memref<!tpu.dma_semaphore, #tpu.memory_space<semaphore_mem>>) {add = true}
      %dma_start3A_58 = arith.constant 3 : i32
      %dma_start3A_59 = arith.constant 0 : i32
      %dma_start3A_60 = tpu.memref_slice %arg10[%dma_start3A_58, %dma_start3A_59] : memref<8x128xi32, #tpu.memory_space<vmem>> -> memref<1x128xi32, #tpu.memory_space<vmem>>
      %dma_start3A_61 = tpu.memref_squeeze %dma_start3A_60 : memref<1x128xi32, #tpu.memory_space<vmem>> -> memref<128xi32, #tpu.memory_space<vmem>>
      %dma_start3A_62 = arith.constant 0 : i32
      %dma_start3A_63 = arith.constant 0 : i32
      %dma_start3A_64 = tpu.memref_slice %arg13[%dma_start3A_62, %dma_start3A_63] : memref<10112x128xf32, #tpu.memory_space<vmem_shared>> -> memref<10112x128xf32, #tpu.memory_space<vmem_shared>>
      tpu.enqueue_indirect_dma source(%arg11 : memref<128x128xf32, #tpu.memory_space<vmem>>) target(%dma_start3A_64 : memref<10112x128xf32, #tpu.memory_space<vmem_shared>>) offsets(%dma_start3A_61 : memref<128xi32, #tpu.memory_space<vmem>>) semaphore(%arg16 : memref<!tpu.dma_semaphore, #tpu.memory_space<semaphore_mem>>) {add = true}
      %dma_start3A_65 = arith.constant 4 : i32
      %dma_start3A_66 = arith.constant 0 : i32
      %dma_start3A_67 = tpu.memref_slice %arg10[%dma_start3A_65, %dma_start3A_66] : memref<8x128xi32, #tpu.memory_space<vmem>> -> memref<1x128xi32, #tpu.memory_space<vmem>>
      %dma_start3A_68 = tpu.memref_squeeze %dma_start3A_67 : memref<1x128xi32, #tpu.memory_space<vmem>> -> memref<128xi32, #tpu.memory_space<vmem>>
      %dma_start3A_69 = arith.constant 0 : i32
      %dma_start3A_70 = arith.constant 0 : i32
      %dma_start3A_71 = tpu.memref_slice %arg13[%dma_start3A_69, %dma_start3A_70] : memref<10112x128xf32, #tpu.memory_space<vmem_shared>> -> memref<10112x128xf32, #tpu.memory_space<vmem_shared>>
      tpu.enqueue_indirect_dma source(%arg11 : memref<128x128xf32, #tpu.memory_space<vmem>>) target(%dma_start3A_71 : memref<10112x128xf32, #tpu.memory_space<vmem_shared>>) offsets(%dma_start3A_68 : memref<128xi32, #tpu.memory_space<vmem>>) semaphore(%arg16 : memref<!tpu.dma_semaphore, #tpu.memory_space<semaphore_mem>>) {add = true}
      %dma_start3A_72 = arith.constant 5 : i32
      %dma_start3A_73 = arith.constant 0 : i32
      %dma_start3A_74 = tpu.memref_slice %arg10[%dma_start3A_72, %dma_start3A_73] : memref<8x128xi32, #tpu.memory_space<vmem>> -> memref<1x128xi32, #tpu.memory_space<vmem>>
      %dma_start3A_75 = tpu.memref_squeeze %dma_start3A_74 : memref<1x128xi32, #tpu.memory_space<vmem>> -> memref<128xi32, #tpu.memory_space<vmem>>
      %dma_start3A_76 = arith.constant 0 : i32
      %dma_start3A_77 = arith.constant 0 : i32
      %dma_start3A_78 = tpu.memref_slice %arg13[%dma_start3A_76, %dma_start3A_77] : memref<10112x128xf32, #tpu.memory_space<vmem_shared>> -> memref<10112x128xf32, #tpu.memory_space<vmem_shared>>
      tpu.enqueue_indirect_dma source(%arg11 : memref<128x128xf32, #tpu.memory_space<vmem>>) target(%dma_start3A_78 : memref<10112x128xf32, #tpu.memory_space<vmem_shared>>) offsets(%dma_start3A_75 : memref<128xi32, #tpu.memory_space<vmem>>) semaphore(%arg16 : memref<!tpu.dma_semaphore, #tpu.memory_space<semaphore_mem>>) {add = true}
      %dma_start3A_79 = arith.constant 6 : i32
      %dma_start3A_80 = arith.constant 0 : i32
      %dma_start3A_81 = tpu.memref_slice %arg10[%dma_start3A_79, %dma_start3A_80] : memref<8x128xi32, #tpu.memory_space<vmem>> -> memref<1x128xi32, #tpu.memory_space<vmem>>
      %dma_start3A_82 = tpu.memref_squeeze %dma_start3A_81 : memref<1x128xi32, #tpu.memory_space<vmem>> -> memref<128xi32, #tpu.memory_space<vmem>>
      %dma_start3A_83 = arith.constant 0 : i32
      %dma_start3A_84 = arith.constant 0 : i32
      %dma_start3A_85 = tpu.memref_slice %arg13[%dma_start3A_83, %dma_start3A_84] : memref<10112x128xf32, #tpu.memory_space<vmem_shared>> -> memref<10112x128xf32, #tpu.memory_space<vmem_shared>>
      tpu.enqueue_indirect_dma source(%arg11 : memref<128x128xf32, #tpu.memory_space<vmem>>) target(%dma_start3A_85 : memref<10112x128xf32, #tpu.memory_space<vmem_shared>>) offsets(%dma_start3A_82 : memref<128xi32, #tpu.memory_space<vmem>>) semaphore(%arg16 : memref<!tpu.dma_semaphore, #tpu.memory_space<semaphore_mem>>) {add = true}
      %dma_start3A_86 = arith.constant 7 : i32
      %dma_start3A_87 = arith.constant 0 : i32
      %dma_start3A_88 = tpu.memref_slice %arg10[%dma_start3A_86, %dma_start3A_87] : memref<8x128xi32, #tpu.memory_space<vmem>> -> memref<1x128xi32, #tpu.memory_space<vmem>>
      %dma_start3A_89 = tpu.memref_squeeze %dma_start3A_88 : memref<1x128xi32, #tpu.memory_space<vmem>> -> memref<128xi32, #tpu.memory_space<vmem>>
      %dma_start3A_90 = arith.constant 0 : i32
      %dma_start3A_91 = arith.constant 0 : i32
      %dma_start3A_92 = tpu.memref_slice %arg13[%dma_start3A_90, %dma_start3A_91] : memref<10112x128xf32, #tpu.memory_space<vmem_shared>> -> memref<10112x128xf32, #tpu.memory_space<vmem_shared>>
      tpu.enqueue_indirect_dma source(%arg11 : memref<128x128xf32, #tpu.memory_space<vmem>>) target(%dma_start3A_92 : memref<10112x128xf32, #tpu.memory_space<vmem_shared>>) offsets(%dma_start3A_89 : memref<128xi32, #tpu.memory_space<vmem>>) semaphore(%arg16 : memref<!tpu.dma_semaphore, #tpu.memory_space<semaphore_mem>>) {add = true}
      %dma_wait3A = arith.constant 0 : i32
      %dma_wait3A_93 = arith.constant 0 : i32
      %dma_wait3A_94 = tpu.memref_slice %arg10[%dma_wait3A, %dma_wait3A_93] : memref<8x128xi32, #tpu.memory_space<vmem>> -> memref<1x128xi32, #tpu.memory_space<vmem>>
      %dma_wait3A_95 = tpu.memref_squeeze %dma_wait3A_94 : memref<1x128xi32, #tpu.memory_space<vmem>> -> memref<128xi32, #tpu.memory_space<vmem>>
      %dma_wait3A_96 = arith.constant 0 : i32
      %dma_wait3A_97 = arith.constant 0 : i32
      %dma_wait3A_98 = tpu.memref_slice %arg13[%dma_wait3A_96, %dma_wait3A_97] : memref<10112x128xf32, #tpu.memory_space<vmem_shared>> -> memref<10112x128xf32, #tpu.memory_space<vmem_shared>>
      tpu.wait_indirect_dma semaphore(%arg16 : memref<!tpu.dma_semaphore, #tpu.memory_space<semaphore_mem>>) src(%arg11 : memref<128x128xf32, #tpu.memory_space<vmem>>) dst(%dma_wait3A_98 : memref<10112x128xf32, #tpu.memory_space<vmem_shared>>)
      %dma_wait3A_99 = arith.constant 1 : i32
      %dma_wait3A_100 = arith.constant 0 : i32
      %dma_wait3A_101 = tpu.memref_slice %arg10[%dma_wait3A_99, %dma_wait3A_100] : memref<8x128xi32, #tpu.memory_space<vmem>> -> memref<1x128xi32, #tpu.memory_space<vmem>>
      %dma_wait3A_102 = tpu.memref_squeeze %dma_wait3A_101 : memref<1x128xi32, #tpu.memory_space<vmem>> -> memref<128xi32, #tpu.memory_space<vmem>>
      %dma_wait3A_103 = arith.constant 0 : i32
      %dma_wait3A_104 = arith.constant 0 : i32
      %dma_wait3A_105 = tpu.memref_slice %arg13[%dma_wait3A_103, %dma_wait3A_104] : memref<10112x128xf32, #tpu.memory_space<vmem_shared>> -> memref<10112x128xf32, #tpu.memory_space<vmem_shared>>
      tpu.wait_indirect_dma semaphore(%arg16 : memref<!tpu.dma_semaphore, #tpu.memory_space<semaphore_mem>>) src(%arg11 : memref<128x128xf32, #tpu.memory_space<vmem>>) dst(%dma_wait3A_105 : memref<10112x128xf32, #tpu.memory_space<vmem_shared>>)
      %dma_wait3A_106 = arith.constant 2 : i32
      %dma_wait3A_107 = arith.constant 0 : i32
      %dma_wait3A_108 = tpu.memref_slice %arg10[%dma_wait3A_106, %dma_wait3A_107] : memref<8x128xi32, #tpu.memory_space<vmem>> -> memref<1x128xi32, #tpu.memory_space<vmem>>
      %dma_wait3A_109 = tpu.memref_squeeze %dma_wait3A_108 : memref<1x128xi32, #tpu.memory_space<vmem>> -> memref<128xi32, #tpu.memory_space<vmem>>
      %dma_wait3A_110 = arith.constant 0 : i32
      %dma_wait3A_111 = arith.constant 0 : i32
      %dma_wait3A_112 = tpu.memref_slice %arg13[%dma_wait3A_110, %dma_wait3A_111] : memref<10112x128xf32, #tpu.memory_space<vmem_shared>> -> memref<10112x128xf32, #tpu.memory_space<vmem_shared>>
      tpu.wait_indirect_dma semaphore(%arg16 : memref<!tpu.dma_semaphore, #tpu.memory_space<semaphore_mem>>) src(%arg11 : memref<128x128xf32, #tpu.memory_space<vmem>>) dst(%dma_wait3A_112 : memref<10112x128xf32, #tpu.memory_space<vmem_shared>>)
      %dma_wait3A_113 = arith.constant 3 : i32
      %dma_wait3A_114 = arith.constant 0 : i32
      %dma_wait3A_115 = tpu.memref_slice %arg10[%dma_wait3A_113, %dma_wait3A_114] : memref<8x128xi32, #tpu.memory_space<vmem>> -> memref<1x128xi32, #tpu.memory_space<vmem>>
      %dma_wait3A_116 = tpu.memref_squeeze %dma_wait3A_115 : memref<1x128xi32, #tpu.memory_space<vmem>> -> memref<128xi32, #tpu.memory_space<vmem>>
      %dma_wait3A_117 = arith.constant 0 : i32
      %dma_wait3A_118 = arith.constant 0 : i32
      %dma_wait3A_119 = tpu.memref_slice %arg13[%dma_wait3A_117, %dma_wait3A_118] : memref<10112x128xf32, #tpu.memory_space<vmem_shared>> -> memref<10112x128xf32, #tpu.memory_space<vmem_shared>>
      tpu.wait_indirect_dma semaphore(%arg16 : memref<!tpu.dma_semaphore, #tpu.memory_space<semaphore_mem>>) src(%arg11 : memref<128x128xf32, #tpu.memory_space<vmem>>) dst(%dma_wait3A_119 : memref<10112x128xf32, #tpu.memory_space<vmem_shared>>)
      %dma_wait3A_120 = arith.constant 4 : i32
      %dma_wait3A_121 = arith.constant 0 : i32
      %dma_wait3A_122 = tpu.memref_slice %arg10[%dma_wait3A_120, %dma_wait3A_121] : memref<8x128xi32, #tpu.memory_space<vmem>> -> memref<1x128xi32, #tpu.memory_space<vmem>>
      %dma_wait3A_123 = tpu.memref_squeeze %dma_wait3A_122 : memref<1x128xi32, #tpu.memory_space<vmem>> -> memref<128xi32, #tpu.memory_space<vmem>>
      %dma_wait3A_124 = arith.constant 0 : i32
      %dma_wait3A_125 = arith.constant 0 : i32
      %dma_wait3A_126 = tpu.memref_slice %arg13[%dma_wait3A_124, %dma_wait3A_125] : memref<10112x128xf32, #tpu.memory_space<vmem_shared>> -> memref<10112x128xf32, #tpu.memory_space<vmem_shared>>
      tpu.wait_indirect_dma semaphore(%arg16 : memref<!tpu.dma_semaphore, #tpu.memory_space<semaphore_mem>>) src(%arg11 : memref<128x128xf32, #tpu.memory_space<vmem>>) dst(%dma_wait3A_126 : memref<10112x128xf32, #tpu.memory_space<vmem_shared>>)
      %dma_wait3A_127 = arith.constant 5 : i32
      %dma_wait3A_128 = arith.constant 0 : i32
      %dma_wait3A_129 = tpu.memref_slice %arg10[%dma_wait3A_127, %dma_wait3A_128] : memref<8x128xi32, #tpu.memory_space<vmem>> -> memref<1x128xi32, #tpu.memory_space<vmem>>
      %dma_wait3A_130 = tpu.memref_squeeze %dma_wait3A_129 : memref<1x128xi32, #tpu.memory_space<vmem>> -> memref<128xi32, #tpu.memory_space<vmem>>
      %dma_wait3A_131 = arith.constant 0 : i32
      %dma_wait3A_132 = arith.constant 0 : i32
      %dma_wait3A_133 = tpu.memref_slice %arg13[%dma_wait3A_131, %dma_wait3A_132] : memref<10112x128xf32, #tpu.memory_space<vmem_shared>> -> memref<10112x128xf32, #tpu.memory_space<vmem_shared>>
      tpu.wait_indirect_dma semaphore(%arg16 : memref<!tpu.dma_semaphore, #tpu.memory_space<semaphore_mem>>) src(%arg11 : memref<128x128xf32, #tpu.memory_space<vmem>>) dst(%dma_wait3A_133 : memref<10112x128xf32, #tpu.memory_space<vmem_shared>>)
      %dma_wait3A_134 = arith.constant 6 : i32
      %dma_wait3A_135 = arith.constant 0 : i32
      %dma_wait3A_136 = tpu.memref_slice %arg10[%dma_wait3A_134, %dma_wait3A_135] : memref<8x128xi32, #tpu.memory_space<vmem>> -> memref<1x128xi32, #tpu.memory_space<vmem>>
      %dma_wait3A_137 = tpu.memref_squeeze %dma_wait3A_136 : memref<1x128xi32, #tpu.memory_space<vmem>> -> memref<128xi32, #tpu.memory_space<vmem>>
      %dma_wait3A_138 = arith.constant 0 : i32
      %dma_wait3A_139 = arith.constant 0 : i32
      %dma_wait3A_140 = tpu.memref_slice %arg13[%dma_wait3A_138, %dma_wait3A_139] : memref<10112x128xf32, #tpu.memory_space<vmem_shared>> -> memref<10112x128xf32, #tpu.memory_space<vmem_shared>>
      tpu.wait_indirect_dma semaphore(%arg16 : memref<!tpu.dma_semaphore, #tpu.memory_space<semaphore_mem>>) src(%arg11 : memref<128x128xf32, #tpu.memory_space<vmem>>) dst(%dma_wait3A_140 : memref<10112x128xf32, #tpu.memory_space<vmem_shared>>)
      %dma_wait3A_141 = arith.constant 7 : i32
      %dma_wait3A_142 = arith.constant 0 : i32
      %dma_wait3A_143 = tpu.memref_slice %arg10[%dma_wait3A_141, %dma_wait3A_142] : memref<8x128xi32, #tpu.memory_space<vmem>> -> memref<1x128xi32, #tpu.memory_space<vmem>>
      %dma_wait3A_144 = tpu.memref_squeeze %dma_wait3A_143 : memref<1x128xi32, #tpu.memory_space<vmem>> -> memref<128xi32, #tpu.memory_space<vmem>>
      %dma_wait3A_145 = arith.constant 0 : i32
      %dma_wait3A_146 = arith.constant 0 : i32
      %dma_wait3A_147 = tpu.memref_slice %arg13[%dma_wait3A_145, %dma_wait3A_146] : memref<10112x128xf32, #tpu.memory_space<vmem_shared>> -> memref<10112x128xf32, #tpu.memory_space<vmem_shared>>
      tpu.wait_indirect_dma semaphore(%arg16 : memref<!tpu.dma_semaphore, #tpu.memory_space<semaphore_mem>>) src(%arg11 : memref<128x128xf32, #tpu.memory_space<vmem>>) dst(%dma_wait3A_147 : memref<10112x128xf32, #tpu.memory_space<vmem_shared>>)
    }
    %barrier3A_33 = arith.constant 0 : index
    tpu.barrier barrier_id(%barrier3A_33)
    "tpu.region"() ({
      %run_scoped3A = tpu.sem_alloc : memref<!tpu.dma_semaphore, #tpu.memory_space<semaphore_mem>>
      %dma_start3A = arith.constant 0 : i32
      %dma_start3A_34 = tpu.memref_slice %arg8[%arg0, %mul3A_0, %dma_start3A] : memref<2x10112x128xf32, #tpu.memory_space<hbm>> -> memref<1x632x128xf32, #tpu.memory_space<hbm>>
      %dma_start3A_35 = tpu.memref_squeeze %dma_start3A_34 : memref<1x632x128xf32, #tpu.memory_space<hbm>> -> memref<632x128xf32, #tpu.memory_space<hbm>>
      %dma_start3A_36 = arith.constant 0 : i32
      %dma_start3A_37 = tpu.memref_slice %arg13[%mul3A_0, %dma_start3A_36] : memref<10112x128xf32, #tpu.memory_space<vmem_shared>> -> memref<632x128xf32, #tpu.memory_space<vmem_shared>>
      tpu.enqueue_dma source(%dma_start3A_37 : memref<632x128xf32, #tpu.memory_space<vmem_shared>>) target(%dma_start3A_35 : memref<632x128xf32, #tpu.memory_space<hbm>>) target_semaphore(%run_scoped3A : memref<!tpu.dma_semaphore, #tpu.memory_space<semaphore_mem>>)
      %dma_wait3A = arith.constant 0 : i32
      %dma_wait3A_38 = tpu.memref_slice %arg8[%arg0, %mul3A_0, %dma_wait3A] : memref<2x10112x128xf32, #tpu.memory_space<hbm>> -> memref<1x632x128xf32, #tpu.memory_space<hbm>>
      %dma_wait3A_39 = tpu.memref_squeeze %dma_wait3A_38 : memref<1x632x128xf32, #tpu.memory_space<hbm>> -> memref<632x128xf32, #tpu.memory_space<hbm>>
      %dma_wait3A_40 = arith.constant 0 : i32
      %dma_wait3A_41 = tpu.memref_slice %arg13[%mul3A_0, %dma_wait3A_40] : memref<10112x128xf32, #tpu.memory_space<vmem_shared>> -> memref<632x128xf32, #tpu.memory_space<vmem_shared>>
      tpu.wait_dma2 semaphore(%run_scoped3A : memref<!tpu.dma_semaphore, #tpu.memory_space<semaphore_mem>>) src(%dma_wait3A_41 : memref<632x128xf32, #tpu.memory_space<vmem_shared>>) dst(%dma_wait3A_39 : memref<632x128xf32, #tpu.memory_space<hbm>>)
      tpu.yield
    }) : () -> ()
    return
  }
}

</mosaic_0001>

<sc_bundles>
// kernel: _sc_segment_sum.3.cloned.1.call-start
scs
__scs_entry_jumppad:
0x0: {  	(pc) =	sbr.rel $0x88, $3  }
0x1: {  	(tag) =	ssettag $0x0;
	lr =	simm.s32 $0x1  }
0x2: {  	[smem:$0x3F9E] =	sst lr;
	_ =	strace $0xD0000000  }
0x3: {  	_ = 	snop  }
0x4: {  	_ = 	snop  }
0x5: {  	_ = 	snop  }
0x6: {  	_ = 	snop  }
0x7: {  	_ = 	snop  }
__scs_overlays_trampoline_lowered:
0x8: {  	[smem:$0x3FAD] =	sst s0  }
0x9: {  	[smem:$0x3FAE] =	sst s1  }
0xa: {  	[smem:$0x3FAF] =	sst s2  }
0xb: {  	[smem:$0x3FB0] =	sst s3  }
0xc: {  	[smem:$0x3FB1] =	sst s4  }
0xd: {  	[smem:$0x3FB2] =	sst s5  }
0xe: {  	[smem:$0x3FB3] =	sst s6  }
0xf: {  	[smem:$0x3FB4] =	sst s7  }
0x10: {  	[smem:$0x3FB5] =	sst s8  }
0x11: {  	[smem:$0x3FB6] =	sst s9;
	s0 =	simm.s32 @!p0 $0x0  }
0x12: {  	s1 =	sld [smem:$0x3F9C];
	s0 =	simm.s32 @p0 $0x1  }
0x13: {  	[smem:$0x3FB7] =	sst s0;
	s0 =	simm.s32 @!p1 $0x0  }
0x14: {  	s2 =	sld [smem:$0x3F9B];
	s0 =	simm.s32 @p1 $0x1  }
0x15: {  	[smem:$0x3FB8] =	sst s0;
	s0 =	simm.s32 @!p2 $0x0  }
0x16: {  	s3 =	sld [smem:$0x3FDB];
	s0 =	simm.s32 @p2 $0x1  }
0x17: {  	s4 =	simm.s32 $0x1BF5;
	[smem:$0x3FBA] =	sst s0  }
0x18: {  	s0 =	sld [smem:$0x3F9D];
	_ =	swait.ge [sflag:s4], $0x0  }
0x19: {  	s7 =	sld [smem:$0x3F9E]  }
0x1a: {  	s8 =	sadd.s32 $0xFFFFE003, lr  }
0x1b: {  	s9 =	sadd.s32 $0xFFFFFEF7, lr;
	s5 =	simm.s32 $0xFFFFFFFF;
	p2 =	slt.u32 s8, $0xFFFFF086  }
0x1c: {  	p1 =	slt.u32 s9, $0xF7A;
	s5 =	simm.s32 @!p2 $0x0  }
0x1d: {  	s5 =	simm.s32 @p1 $0x1;
	p0 =	seq.s32 s7, s2  }
0x1e: {  	s7 =	smul.u32 @!p0 $0xF7A, s2;
	p2 =	seq.s32 @!p0 s5, $0x0  }
0x1f: {  	s9 =	smul.u32 $0xF7A, s1;
	s8 =	simm.s32 @!p0 $0x1BF5;
	p2 =	por !p2, p0  }
0x20: {  	[sflag:s8] =	ssyncset.s32 @!p0 $0xFFFFF086;
	s6 =	sadd.s32 @!p0 s3, s7;
	s7 =	simm.s32 @!p0 $0x108  }
0x21: {  	s3 =	sadd.s32 s3, s9;
	s6 =	sadd.s32 @!p0 $0x88, s6;
	s7 =	simm.s32 @p2 $0x1082  }
0x22: {  	[simem:s7], [sflag:s8] =	dma.local @!p0 [hbm:s6], $0xF7A  }
0x23: {  	s9 =	sor.u32 $0xD0000000, s2;
	s6 =	simm.s32 $0x108;
	_ =	swait.ge @!p0 [sflag:s8], $0x0  }
0x24: {  	s3 =	sadd.s32 $0x88, s3;
	s6 =	simm.s32 @!p1 $0x1082;
	[sflag:s4] =	ssyncset.s32 $0xFFFFF086  }
0x25: {  	[simem:s6], [sflag:s4] =	dma.local [hbm:s3], $0xF7A  }
0x26: {  	[smem:$0x3F9E] =	sst s1;
	(tag) =	ssettag s2;
	_ =	strace s9  }
0x27: {  	s1 =	sld [smem:$0x3FAE]  }
0x28: {  	s2 =	sld [smem:$0x3FAF]  }
0x29: {  	s4 =	sld [smem:$0x3FB1]  }
0x2a: {  	p0 =	seq.s32 s5, $0x0;
	s5 =	sld [smem:$0x3FB2]  }
0x2b: {  	s6 =	sld [smem:$0x3FB3]  }
0x2c: {  	s7 =	sld [smem:$0x3FB4]  }
0x2d: {  	s3 =	simm.s32 $0x108;
	s8 =	sld [smem:$0x3FB5]  }
0x2e: {  	s3 =	simm.s32 @!p0 $0x1082;
	s9 =	sld [smem:$0x3FB6]  }
0x2f: {  	lr =	sadd.s32 s0, s3;
	s0 =	sld [smem:$0x3FAD]  }
0x30: {  	s3 =	sld [smem:$0x3FB0]  }
0x31: {  	[smem:$0x3FB9] =	sst s10  }
0x32: {  	s10 =	sld [smem:$0x3FB7];
	_ =	sdelay $0x3  }
0x33: {  	p0 =	seq.s32 s10, $0x1;
	s10 =	sld [smem:$0x3FB9];
	_ =	sdelay $0x3  }
0x34: {  	[smem:$0x3FB9] =	sst s10  }
0x35: {  	s10 =	sld [smem:$0x3FB8];
	_ =	sdelay $0x3  }
0x36: {  	p1 =	seq.s32 s10, $0x1;
	s10 =	sld [smem:$0x3FB9];
	_ =	sdelay $0x3  }
0x37: {  	[smem:$0x3FB9] =	sst s10  }
0x38: {  	s10 =	sld [smem:$0x3FBA]  }
0x39: {  	_ = 	snop;
	(pc) =	sbr.ind lr, $3  }
0x3a: {  	_ = 	snop  }
0x3b: {  	_ = 	snop  }
0x3c: {  	p2 =	seq.s32 s10, $0x1;
	s10 =	sld [smem:$0x3FB9]  }
0x3d: {  	_ =	shalt  }
0x3e: {  	_ =	shalt  }
0x3f: {  	_ =	shalt  }
0x40: {  	_ =	shalt  }
0x41: {  	_ =	shalt  }
0x42: {  	_ =	shalt  }
0x43: {  	_ =	shalt  }
0x44: {  	_ =	shalt  }
0x45: {  	_ =	shalt  }
0x46: {  	_ =	shalt  }
0x47: {  	_ =	shalt  }
0x48: {  	_ =	shalt  }
0x49: {  	_ =	shalt  }
0x4a: {  	_ =	shalt  }
0x4b: {  	_ =	shalt  }
0x4c: {  	_ =	shalt  }
0x4d: {  	_ =	shalt  }
0x4e: {  	_ =	shalt  }
0x4f: {  	_ =	shalt  }
0x50: {  	_ =	shalt  }
0x51: {  	_ =	shalt  }
0x52: {  	_ =	shalt  }
0x53: {  	_ =	shalt  }
0x54: {  	_ =	shalt  }
0x55: {  	_ =	shalt  }
0x56: {  	_ =	shalt  }
0x57: {  	_ =	shalt  }
0x58: {  	_ =	shalt  }
0x59: {  	_ =	shalt  }
0x5a: {  	_ =	shalt  }
0x5b: {  	_ =	shalt  }
0x5c: {  	_ =	shalt  }
0x5d: {  	_ =	shalt  }
0x5e: {  	_ =	shalt  }
0x5f: {  	_ =	shalt  }
0x60: {  	_ =	shalt  }
0x61: {  	_ =	shalt  }
0x62: {  	_ =	shalt  }
0x63: {  	_ =	shalt  }
0x64: {  	_ =	shalt  }
0x65: {  	_ =	shalt  }
0x66: {  	_ =	shalt  }
0x67: {  	_ =	shalt  }
0x68: {  	_ =	shalt  }
0x69: {  	_ =	shalt  }
0x6a: {  	_ =	shalt  }
0x6b: {  	_ =	shalt  }
0x6c: {  	_ =	shalt  }
0x6d: {  	_ =	shalt  }
0x6e: {  	_ =	shalt  }
0x6f: {  	_ =	shalt  }
0x70: {  	_ =	shalt  }
0x71: {  	_ =	shalt  }
0x72: {  	_ =	shalt  }
0x73: {  	_ =	shalt  }
0x74: {  	_ =	shalt  }
0x75: {  	_ =	shalt  }
0x76: {  	_ =	shalt  }
0x77: {  	_ =	shalt  }
0x78: {  	_ =	shalt  }
0x79: {  	_ =	shalt  }
0x7a: {  	_ =	shalt  }
0x7b: {  	_ =	shalt  }
0x7c: {  	_ =	shalt  }
0x7d: {  	_ =	shalt  }
0x7e: {  	_ =	shalt  }
0x7f: {  	_ =	shalt  }
0x80: {  	_ =	shalt  }
0x81: {  	_ =	shalt  }
0x82: {  	_ =	shalt  }
0x83: {  	_ =	shalt  }
0x84: {  	_ =	shalt  }
0x85: {  	_ =	shalt  }
0x86: {  	_ =	shalt  }
0x87: {  	_ =	shalt  }
.Lfunc_end0:
.L_simem_size_0:
called_computation_lowered:
.L_overlay_start_0:
0x88: {  	s2 =	sld [smem:$0x3FD9]  }
0x89: {  	s3 =	sld [smem:$0x3FFE];
	_ =	sdelay $0x1  }
0x8a: {  	s1 =	srdreg.scid  }
0x8b: {  	s0 =	sand.u32 $0x1, s1  }
0x8c: {  	s14 =	sshll.u32 s0, $0xA;
	s2 =	sadd.s32 s3, s2  }
0x8d: {  	s2 =	sadd.s32 s2, s14  }
0x8e: {  	[smem:$0x3FC5] =	sst s2  }
0x8f: {  	_ = 	snop  }
0x90: {  	s2 =	sld [smem:$0x3FD0]  }
0x91: {  	s15 =	sld [smem:$0x3FC9]  }
0x92: {  	s4 =	sld [smem:$0x3FC8]  }
0x93: {  	s6 =	simm.s32 $0xA;
	s7 =	simm.s32 $0x10;
	s5 =	sld [smem:$0x3FC7]  }
0x94: {  	[smem:s7], [sflag:s6] =	dma.local [hbm:s2], $0x1  }
0x95: {  	_ =	swait.eq [sflag:s6], $0x1  }
0x96: {  	[sflag:s6] =	ssyncset.done $0x0  }
0x97: {  	s16 =	sld [smem:$0x10];
	[sflag:s6] =	ssyncadd.s32 $0xFFFFFFFF  }
0x98: {  	s17 =	sld [smem:$0x11];
	(tm) =	ssettm $0x1  }
0x99: {  	s18 =	sld [smem:$0x3FFB];
	_ =	sdelay $0x3  }
0x9a: {  	_ =	strace s18  }
0x9b: {  	s7 =	sld [smem:$0x3FFC];
	_ =	sdelay $0x3  }
0x9c: {  	_ =	strace s7  }
0x9d: {  	s7 =	sld [smem:$0x3FFD];
	_ =	sdelay $0x3  }
0x9e: {  	_ =	strace s7  }
0x9f: {  	_ =	strace $0x8FFFFFFF  }
0xa0: {  	s19 =	sld [smem:$0x3FDB];
	_ =	sdelay $0x1  }
0xa1: {  	s8 =	simm.s32 $_scs_section_size  }
0xa2: {  	s9 =	simm.s32 $_size__tile_overlayer_lowered;
	s10 =	simm.s32 $_tile_overlayer_lowered  }
0xa3: {  	s22 =	simm.s32 $0x1BFF;
	s21 =	sshll.u32 s10, $0x1;
	s7 =	sadd.s32 s8, s19  }
0xa4: {  	s11 =	simm.s32 $0x0;
	s20 =	sshll.u32 s9, $0x1;
	s9 =	sadd.s32 s21, s7  }
0xa5: {  	[timem:s11], [sflag:s22] =	dma.local [hbm:s9], s20  }
0xa6: {  	_ =	swait.ge [sflag:s22], s20  }
0xa7: {  	s8 =	ssub.s32 $0x0, s20;
	[sflag:s22] =	ssyncset.done $0x0  }
0xa8: {  	[sflag:s22] =	ssyncadd.s32 s8;
	_ =	sdelay $0x1  }
0xa9: {  	s23 =	simm.s32 $0x1B8B  }
0xaa: {  	_ =	swait.ge [sflag:s23], $0x1  }
0xab: {  	[sflag:s23] =	ssyncset.done $0x0  }
0xac: {  	s25 =	simm.s32 $0x1B8E;
	s24 =	sld [smem:$0x3FFE];
	[sflag:s23] =	ssyncadd.s32 $0xFFFFFFFF  }
0xad: {  	s26 =	simm.s32 $execute0_lowered;
	[smem:$0x3FD2] =	sst s25  }
0xae: {  	s9 =	sshll.u32 s26, $0x1;
	_ =	strace $0x80000046;
	[dreg:$0x1] =	wrdreg $0xFFFFFFFF  }
0xaf: {  	s28 =	simm.s32 $_size_execute0_lowered;
	s7 =	sadd.s32 s7, s9;
	[dreg:$0x0] =	wrdreg $0x0  }
0xb0: {  	s9 =	sshll.u32 s28, $0x1;
	[dreg:$0x2] =	wrdreg s7  }
0xb1: {  	[dreg:$0x3] =	wrdreg s9  }
0xb2: {  	[dreg:$0x4] =	wrdreg $0xC0  }
0xb3: {  	_ =	task [dreg:s11], $0x5FFFF  }
0xb4: {  	[dreg:$0x1] =	wrdreg $0xFFFFFFFF  }
0xb5: {  	[dreg:$0x0] =	wrdreg $0x60  }
0xb6: {  	[dreg:$0x2] =	wrdreg s15  }
0xb7: {  	[dreg:$0x3] =	wrdreg s4  }
0xb8: {  	[dreg:$0x4] =	wrdreg s5  }
0xb9: {  	[dreg:$0x5] =	wrdreg s24  }
0xba: {  	[dreg:$0x6] =	wrdreg s16  }
0xbb: {  	[dreg:$0x7] =	wrdreg s17  }
0xbc: {  	[dreg:$0x8] =	wrdreg $0x88000  }
0xbd: {  	[dreg:$0x9] =	wrdreg $0x9  }
0xbe: {  	_ =	task.clear_ibuf [dreg:s11], $0xAFFFF;
	_ =	strace $0x90000046  }
0xbf: {  	s29 =	simm.s32 $0x9;
	_ =	strace $0x80000048  }
0xc0: {  	_ =	swait.ge [sflag:s29], $0x1  }
0xc1: {  	[sflag:s29] =	ssyncadd.s32 $0xFFFFFFFF  }
0xc2: {  	_ =	strace $0x90000048  }
0xc3: {  	_ =	sfence  }
0xc4: {  	s30 =	sld [smem:$0x0];
	_ =	sdelay $0x2  }
0xc5: {  	s31 =	sshll.u32 s1, $0xD;
	s1 =	sshrl.u32 s1, $0x2  }
0xc6: {  	s3 =	sand.u32 $0x4000, s31;
	s1 =	sadd.s32 s1, s30  }
0xc7: {  	s0 =	sor.u32 s3, s0;
	s1 =	sshll.u32 s1, $0x11  }
0xc8: {  	s0 =	sor.u32 s1, s0  }
0xc9: {  	s0 =	sadd.s32 $0x8F2B, s0  }
0xca: {  	[sflag:s0] =	ssyncadd.remote.s32 $0x1  }
0xcb: {  	_ =	sfence.sel $0xFFFF  }
0xcc: {  	[dreg:$0x0] =	wrdreg $0xFFFFFFFF;
	(pc) =	sbr.abs _section_cstart, $3  }
0xcd: {  	[dreg:$0x1] =	wrdreg $0xFFFFFFFF  }
0xce: {  	_ =	task.clear_ibuf [dreg:s11], $0x2FFFF;
	_ =	strace $0x9FFFFFFF  }
0xcf: {  	(tm) =	ssettm $0x7FFFFFFF  }
tec
execute0_lowered:
.L_overlay_start_1:
0x0: {  	(tag) =	ssettag $0x1  }
0x1: {  	s0 =	rddreg [dreg:$0x0]  }
0x2: {  	s1 =	rddreg [dreg:$0x1]  }
0x3: {  	s4 =	rddreg [dreg:$0x2]  }
0x4: {  	s5 =	rddreg [dreg:$0x3]  }
0x5: {  	s6 =	rddreg [dreg:$0x4]  }
0x6: {  	s8 =	rddreg [dreg:$0x5]  }
0x7: {  	s2 =	rddreg [dreg:$0x6]  }
0x8: {  	s7 =	srdreg.scid;
	s3 =	simm.s32 $0x0;
	s14 =	stileid.u32  }
0x9: {  	s15 =	simm.s32 $0x4;
	s16 =	simm.s32 $0x400;
	s17 =	simm.s32 $0x80  }
0xa: {  	s18 =	simm.s32 $0x800;
	s28 =	simm.s32 $0x580;
	s29 =	simm.s32 $0x280  }
0xb: {  	s30 =	simm.s32 $0x600;
	s31 =	simm.s32 $0x300;
	s9 =	sand.u32 $0x1, s7  }
0xc: {  	[smem:$0x7FF] =	sst s3;
	s10 =	sadd.s32 $0xE00, s5;
	s5 =	sadd.s32 $0x600, s5  }
0xd: {  	s21 =	sshll.u32 s14, $0x2;
	s11 =	smul.u32 $0x13C00, s14;
	s12 =	sshll.u32 s14, $0x4  }
0xe: {  	s13 =	smul.u32 $0x4F000, s14;
	_ =	strace $0x80000047;
	[dreg:$0x8] =	wrdreg s10  }
0xf: {  	s23 =	sshll.u32 s14, $0x6;
	s7 =	ssub.s32 $0x2, s9;
	[dreg:$0x9] =	wrdreg s5  }
0x10: {  	p0 =	seq.s32 s9, $0x0;
	s9 =	smul.u32 $0x13C000, s9;
	s10 =	sor.u32 $0x100, s21  }
0x11: {  	s21 =	simm.s32 $0x100;
	s19 =	sshrl.u32 s7, $0x1;
	s15 =	simm.s32 @!p0 $0x10  }
0x12: {  	s12 =	smov.u32 @p0 s10;
	s22 =	sshrl.u32 s13, $0x2;
	s20 =	ssub.s32 s7, s19  }
0x13: {  	s7 =	simm.s32 $0x4;
	[dreg:$0xa] =	wrdreg s15;
	s9 =	sadd.s32 s11, s9  }
0x14: {  	s10 =	sadd.s32 s22, s2;
	s26 =	sshll.u32 s12, $0x7;
	s19 =	simm.s32 $0x4800  }
0x15: {  	s22 =	simm.s32 $0x2;
	s11 =	simm.s32 $0x3;
	s12 =	simm.s32 $0x0  }
0x16: {  	s24 =	sshrl.u32 s9, $0x3;
	s9 =	sor.u32 $0x1C04, s23;
	s5 =	smax.u32 s20, $0x1  }
0x17: {  	s14 =	sadd.s32 s26, s4;
	s1 =	sadd.s32 s26, s1;
	s15 =	sshrl.u32 s10, $0x3  }
0x18: {  	s20 =	simm.s32 $0x1;
	s23 =	simm.s32 $0x480;
	s26 =	simm.s32 $0x200  }
0x19: {  	s4 =	simm.s32 $0x380;
	s10 =	simm.s32 $0x780;
	[dreg:$0xd] =	wrdreg s5  }
0x1a: {  	s6 =	sadd.s32 s6, s24;
	s25 =	sadd.s32 s8, s24;
	[dreg:$0xe] =	wrdreg s1  }
0x1b: {  	s24 =	simm.s32 $0x180;
	s1 =	simm.s32 $0x680;
	[dreg:$0xb] =	wrdreg s6  }
0x1c: {  	[dreg:$0xc] =	wrdreg s25;
	s25 =	simm.s32 $0x500;
	s6 =	simm.s32 $0x700  }
.LBB2_1:
0x1d: {  	s5 =	rddreg [dreg:$0x8]  }
0x1e: {  	[spmem:s15], [sflag:s9] =	dma.local [hbm:s5], $0x2780  }
0x1f: {  	_ =	swait.ge [sflag:s7], $0x2780  }
0x20: {  	[sflag:s7] =	ssyncset.done $0x0  }
0x21: {  	[sflag:s7] =	ssyncadd.s32 $0xFFFFD880  }
0x22: {  	[bflag:$0x0] =	sbarrier.arrive $0xFFFF  }
0x23: {  	s8 =	rddreg [dreg:$0xe]  }
0x24: {  	[tilespmem:s3], [sflag:$0x4] =	stream.linear.gather [hbm4b:s8+s3], $0x400, $0x38;
	[tilespmem:$0x1C400] =	vst v63  }
0x25: {  	_ =	swait.ge [sflag:s7], $0x400  }
0x26: {  	[sflag:s7] =	ssyncset.done $0x0  }
0x27: {  	[sflag:s7] =	ssyncadd.s32 $0xFFFFFC00  }
0x28: {  	[tilespmem:s16], [sflag:$0x4] =	stream.linear.gather [hbm4b:s14+s3], $0x400, $0x38;
	[tilespmem:$0x1C400] =	vst v63  }
0x29: {  	_ =	swait.ge [sflag:s7], $0x400  }
0x2a: {  	[sflag:s7] =	ssyncset.done $0x0  }
0x2b: {  	[sflag:s7] =	ssyncadd.s32 $0xFFFFFC00  }
0x2c: {  	[tilespmem:s18], [sflag:$0x1] =	stream.indirect.gather [hbm4b:s0+s17], $0x80, s3, s17, $0xb8;
	[tilespmem:$0x1C400] =	vst v63  }
0x2d: {  	_ = 	snop  }
0x2e: {  	[tilespmem:s19], [sflag:$0x2] =	stream.indirect.gather [hbm4b:s0+s17], $0x80, s17, s17, $0xb8;
	[tilespmem:$0x1C400] =	vst v63  }
0x2f: {  	_ =	swait.ge [sflag:s20], $0x4000  }
0x30: {  	[sflag:s20] =	ssyncset.done $0x0  }
0x31: {  	[sflag:s20] =	ssyncadd.s32 $0xFFFFC000  }
0x32: {  	[spmem:s2] =	stream.indirect.scatter.add.f32 [tilespmem:s18], [sflag:$0x4], $0x80, s16, s17, $0xb8;
	[tilespmem:$0x1C400] =	vst v63  }
0x33: {  	_ =	swait.ge [sflag:s7], $0x4000  }
0x34: {  	[sflag:s7] =	ssyncset.done $0x0  }
0x35: {  	[sflag:s7] =	ssyncadd.s32 $0xFFFFC000  }
0x36: {  	[tilespmem:s18], [sflag:$0x1] =	stream.indirect.gather [hbm4b:s0+s17], $0x80, s21, s17, $0xb8;
	[tilespmem:$0x1C400] =	vst v63  }
0x37: {  	_ =	swait.ge [sflag:s22], $0x4000  }
0x38: {  	[sflag:s22] =	ssyncset.done $0x0  }
0x39: {  	[sflag:s22] =	ssyncadd.s32 $0xFFFFC000  }
0x3a: {  	[spmem:s2] =	stream.indirect.scatter.add.f32 [tilespmem:s19], [sflag:$0x4], $0x80, s23, s17, $0xb8;
	[tilespmem:$0x1C400] =	vst v63  }
0x3b: {  	_ =	swait.ge [sflag:s7], $0x4000  }
0x3c: {  	[sflag:s7] =	ssyncset.done $0x0  }
0x3d: {  	[sflag:s7] =	ssyncadd.s32 $0xFFFFC000  }
0x3e: {  	[tilespmem:s19], [sflag:$0x2] =	stream.indirect.gather [hbm4b:s0+s17], $0x80, s24, s17, $0xb8;
	[tilespmem:$0x1C400] =	vst v63  }
0x3f: {  	_ =	swait.ge [sflag:s20], $0x4000  }
0x40: {  	[sflag:s20] =	ssyncset.done $0x0  }
0x41: {  	[sflag:s20] =	ssyncadd.s32 $0xFFFFC000  }
0x42: {  	[spmem:s2] =	stream.indirect.scatter.add.f32 [tilespmem:s18], [sflag:$0x4], $0x80, s25, s17, $0xb8;
	[tilespmem:$0x1C400] =	vst v63  }
0x43: {  	_ =	swait.ge [sflag:s7], $0x4000  }
0x44: {  	[sflag:s7] =	ssyncset.done $0x0  }
0x45: {  	[sflag:s7] =	ssyncadd.s32 $0xFFFFC000  }
0x46: {  	[tilespmem:s18], [sflag:$0x1] =	stream.indirect.gather [hbm4b:s0+s17], $0x80, s26, s17, $0xb8;
	[tilespmem:$0x1C400] =	vst v63  }
0x47: {  	_ =	swait.ge [sflag:s22], $0x4000  }
0x48: {  	[sflag:s22] =	ssyncset.done $0x0  }
0x49: {  	[sflag:s22] =	ssyncadd.s32 $0xFFFFC000  }
0x4a: {  	[spmem:s2] =	stream.indirect.scatter.add.f32 [tilespmem:s19], [sflag:$0x4], $0x80, s28, s17, $0xb8;
	[tilespmem:$0x1C400] =	vst v63  }
0x4b: {  	_ =	swait.ge [sflag:s7], $0x4000  }
0x4c: {  	[sflag:s7] =	ssyncset.done $0x0  }
0x4d: {  	[sflag:s7] =	ssyncadd.s32 $0xFFFFC000  }
0x4e: {  	[tilespmem:s19], [sflag:$0x2] =	stream.indirect.gather [hbm4b:s0+s17], $0x80, s29, s17, $0xb8;
	[tilespmem:$0x1C400] =	vst v63  }
0x4f: {  	_ =	swait.ge [sflag:s20], $0x4000  }
0x50: {  	[sflag:s20] =	ssyncset.done $0x0  }
0x51: {  	[sflag:s20] =	ssyncadd.s32 $0xFFFFC000  }
0x52: {  	[spmem:s2] =	stream.indirect.scatter.add.f32 [tilespmem:s18], [sflag:$0x4], $0x80, s30, s17, $0xb8;
	[tilespmem:$0x1C400] =	vst v63  }
0x53: {  	_ =	swait.ge [sflag:s7], $0x4000  }
0x54: {  	[sflag:s7] =	ssyncset.done $0x0  }
0x55: {  	[sflag:s7] =	ssyncadd.s32 $0xFFFFC000  }
0x56: {  	[tilespmem:s18], [sflag:$0x1] =	stream.indirect.gather [hbm4b:s0+s17], $0x80, s31, s17, $0xb8;
	[tilespmem:$0x1C400] =	vst v63  }
0x57: {  	_ =	swait.ge [sflag:s22], $0x4000  }
0x58: {  	[sflag:s22] =	ssyncset.done $0x0  }
0x59: {  	[sflag:s22] =	ssyncadd.s32 $0xFFFFC000  }
0x5a: {  	[spmem:s2] =	stream.indirect.scatter.add.f32 [tilespmem:s19], [sflag:$0x4], $0x80, s1, s17, $0xb8;
	[tilespmem:$0x1C400] =	vst v63  }
0x5b: {  	_ =	swait.ge [sflag:s7], $0x4000  }
0x5c: {  	[sflag:s7] =	ssyncset.done $0x0  }
0x5d: {  	[sflag:s7] =	ssyncadd.s32 $0xFFFFC000  }
0x5e: {  	[tilespmem:s19], [sflag:$0x2] =	stream.indirect.gather [hbm4b:s0+s17], $0x80, s4, s17, $0xb8;
	[tilespmem:$0x1C400] =	vst v63  }
0x5f: {  	_ =	swait.ge [sflag:s20], $0x4000  }
0x60: {  	[sflag:s20] =	ssyncset.done $0x0  }
0x61: {  	[sflag:s20] =	ssyncadd.s32 $0xFFFFC000  }
0x62: {  	[spmem:s2] =	stream.indirect.scatter.add.f32 [tilespmem:s18], [sflag:$0x4], $0x80, s6, s17, $0xb8;
	[tilespmem:$0x1C400] =	vst v63  }
0x63: {  	_ =	swait.ge [sflag:s7], $0x4000  }
0x64: {  	[sflag:s7] =	ssyncset.done $0x0  }
0x65: {  	[sflag:s7] =	ssyncadd.s32 $0xFFFFC000  }
0x66: {  	_ =	swait.ge [sflag:s22], $0x4000  }
0x67: {  	s13 =	rddreg [dreg:$0xa]  }
0x68: {  	p0 =	sne.s32 s13, $0x1  }
.Ltmp0:
0x69: {  	[sflag:s22] =	ssyncset.done $0x0;
	(pc) =	sbr.rel @!p0 .LBB2_3-.Ltmp0, $4  }
0x6a: {  	[sflag:s22] =	ssyncadd.s32 $0xFFFFC000  }
0x6b: {  	[spmem:s2] =	stream.indirect.scatter.add.f32 [tilespmem:s19], [sflag:$0x4], $0x80, s10, s17, $0xb8;
	[tilespmem:$0x1C400] =	vst v63  }
0x6c: {  	_ =	swait.ge [sflag:s7], $0x4000  }
0x6d: {  	s5 =	sadd.s32 $0xFFFFFFFF, s13;
	s13 =	smov.u32 s14;
	[sflag:s7] =	ssyncset.done $0x0  }
.LBB2_2:
0x6e: {  	[sflag:s7] =	ssyncadd.s32 $0xFFFFC000;
	s13 =	sadd.s32 $0x80, s13;
	s8 =	sadd.s32 $0x80, s8  }
0x6f: {  	[tilespmem:s3], [sflag:$0x4] =	stream.linear.gather [hbm4b:s8+s3], $0x400, $0x38;
	[tilespmem:$0x1C400] =	vst v63  }
0x70: {  	p1 =	sne.s32 s5, $0x1;
	s5 =	sadd.s32 $0xFFFFFFFF, s5;
	_ =	swait.ge [sflag:s7], $0x400  }
0x71: {  	[sflag:s7] =	ssyncset.done $0x0  }
0x72: {  	[sflag:s7] =	ssyncadd.s32 $0xFFFFFC00  }
0x73: {  	[tilespmem:s16], [sflag:$0x4] =	stream.linear.gather [hbm4b:s13+s3], $0x400, $0x38;
	[tilespmem:$0x1C400] =	vst v63  }
0x74: {  	_ =	swait.ge [sflag:s7], $0x400  }
0x75: {  	[sflag:s7] =	ssyncset.done $0x0  }
0x76: {  	[sflag:s7] =	ssyncadd.s32 $0xFFFFFC00  }
0x77: {  	[tilespmem:s18], [sflag:$0x1] =	stream.indirect.gather [hbm4b:s0+s17], $0x80, s3, s17, $0xb8;
	[tilespmem:$0x1C400] =	vst v63  }
0x78: {  	_ = 	snop  }
0x79: {  	[tilespmem:s19], [sflag:$0x2] =	stream.indirect.gather [hbm4b:s0+s17], $0x80, s17, s17, $0xb8;
	[tilespmem:$0x1C400] =	vst v63  }
0x7a: {  	_ =	swait.ge [sflag:s20], $0x4000  }
0x7b: {  	[sflag:s20] =	ssyncset.done $0x0  }
0x7c: {  	[sflag:s20] =	ssyncadd.s32 $0xFFFFC000  }
0x7d: {  	[spmem:s2] =	stream.indirect.scatter.add.f32 [tilespmem:s18], [sflag:$0x4], $0x80, s16, s17, $0xb8;
	[tilespmem:$0x1C400] =	vst v63  }
0x7e: {  	_ =	swait.ge [sflag:s7], $0x4000  }
0x7f: {  	[sflag:s7] =	ssyncset.done $0x0  }
0x80: {  	[sflag:s7] =	ssyncadd.s32 $0xFFFFC000  }
0x81: {  	[tilespmem:s18], [sflag:$0x1] =	stream.indirect.gather [hbm4b:s0+s17], $0x80, s21, s17, $0xb8;
	[tilespmem:$0x1C400] =	vst v63  }
0x82: {  	_ =	swait.ge [sflag:s22], $0x4000  }
0x83: {  	[sflag:s22] =	ssyncset.done $0x0  }
0x84: {  	[sflag:s22] =	ssyncadd.s32 $0xFFFFC000  }
0x85: {  	[spmem:s2] =	stream.indirect.scatter.add.f32 [tilespmem:s19], [sflag:$0x4], $0x80, s23, s17, $0xb8;
	[tilespmem:$0x1C400] =	vst v63  }
0x86: {  	_ =	swait.ge [sflag:s7], $0x4000  }
0x87: {  	[sflag:s7] =	ssyncset.done $0x0  }
0x88: {  	[sflag:s7] =	ssyncadd.s32 $0xFFFFC000  }
0x89: {  	[tilespmem:s19], [sflag:$0x2] =	stream.indirect.gather [hbm4b:s0+s17], $0x80, s24, s17, $0xb8;
	[tilespmem:$0x1C400] =	vst v63  }
0x8a: {  	_ =	swait.ge [sflag:s20], $0x4000  }
0x8b: {  	[sflag:s20] =	ssyncset.done $0x0  }
0x8c: {  	[sflag:s20] =	ssyncadd.s32 $0xFFFFC000  }
0x8d: {  	[spmem:s2] =	stream.indirect.scatter.add.f32 [tilespmem:s18], [sflag:$0x4], $0x80, s25, s17, $0xb8;
	[tilespmem:$0x1C400] =	vst v63  }
0x8e: {  	_ =	swait.ge [sflag:s7], $0x4000  }
0x8f: {  	[sflag:s7] =	ssyncset.done $0x0  }
0x90: {  	[sflag:s7] =	ssyncadd.s32 $0xFFFFC000  }
0x91: {  	[tilespmem:s18], [sflag:$0x1] =	stream.indirect.gather [hbm4b:s0+s17], $0x80, s26, s17, $0xb8;
	[tilespmem:$0x1C400] =	vst v63  }
0x92: {  	_ =	swait.ge [sflag:s22], $0x4000  }
0x93: {  	[sflag:s22] =	ssyncset.done $0x0  }
0x94: {  	[sflag:s22] =	ssyncadd.s32 $0xFFFFC000  }
0x95: {  	[spmem:s2] =	stream.indirect.scatter.add.f32 [tilespmem:s19], [sflag:$0x4], $0x80, s28, s17, $0xb8;
	[tilespmem:$0x1C400] =	vst v63  }
0x96: {  	_ =	swait.ge [sflag:s7], $0x4000  }
0x97: {  	[sflag:s7] =	ssyncset.done $0x0  }
0x98: {  	[sflag:s7] =	ssyncadd.s32 $0xFFFFC000  }
0x99: {  	[tilespmem:s19], [sflag:$0x2] =	stream.indirect.gather [hbm4b:s0+s17], $0x80, s29, s17, $0xb8;
	[tilespmem:$0x1C400] =	vst v63  }
0x9a: {  	_ =	swait.ge [sflag:s20], $0x4000  }
0x9b: {  	[sflag:s20] =	ssyncset.done $0x0  }
0x9c: {  	[sflag:s20] =	ssyncadd.s32 $0xFFFFC000  }
0x9d: {  	[spmem:s2] =	stream.indirect.scatter.add.f32 [tilespmem:s18], [sflag:$0x4], $0x80, s30, s17, $0xb8;
	[tilespmem:$0x1C400] =	vst v63  }
0x9e: {  	_ =	swait.ge [sflag:s7], $0x4000  }
0x9f: {  	[sflag:s7] =	ssyncset.done $0x0  }
0xa0: {  	[sflag:s7] =	ssyncadd.s32 $0xFFFFC000  }
0xa1: {  	[tilespmem:s18], [sflag:$0x1] =	stream.indirect.gather [hbm4b:s0+s17], $0x80, s31, s17, $0xb8;
	[tilespmem:$0x1C400] =	vst v63  }
0xa2: {  	_ =	swait.ge [sflag:s22], $0x4000  }
0xa3: {  	[sflag:s22] =	ssyncset.done $0x0  }
0xa4: {  	[sflag:s22] =	ssyncadd.s32 $0xFFFFC000  }
0xa5: {  	[spmem:s2] =	stream.indirect.scatter.add.f32 [tilespmem:s19], [sflag:$0x4], $0x80, s1, s17, $0xb8;
	[tilespmem:$0x1C400] =	vst v63  }
0xa6: {  	_ =	swait.ge [sflag:s7], $0x4000  }
0xa7: {  	[sflag:s7] =	ssyncset.done $0x0  }
0xa8: {  	[sflag:s7] =	ssyncadd.s32 $0xFFFFC000  }
0xa9: {  	[tilespmem:s19], [sflag:$0x2] =	stream.indirect.gather [hbm4b:s0+s17], $0x80, s4, s17, $0xb8;
	[tilespmem:$0x1C400] =	vst v63  }
0xaa: {  	_ =	swait.ge [sflag:s20], $0x4000  }
0xab: {  	[sflag:s20] =	ssyncset.done $0x0  }
0xac: {  	[sflag:s20] =	ssyncadd.s32 $0xFFFFC000  }
0xad: {  	[spmem:s2] =	stream.indirect.scatter.add.f32 [tilespmem:s18], [sflag:$0x4], $0x80, s6, s17, $0xb8;
	[tilespmem:$0x1C400] =	vst v63  }
0xae: {  	_ =	swait.ge [sflag:s7], $0x4000  }
0xaf: {  	[sflag:s7] =	ssyncset.done $0x0  }
0xb0: {  	[sflag:s7] =	ssyncadd.s32 $0xFFFFC000  }
0xb1: {  	_ =	swait.ge [sflag:s22], $0x4000  }
.Ltmp1:
0xb2: {  	[sflag:s22] =	ssyncset.done $0x0;
	(pc) =	sbr.rel @p1 .LBB2_2-.Ltmp1, $4  }
0xb3: {  	[sflag:s22] =	ssyncadd.s32 $0xFFFFC000  }
0xb4: {  	[spmem:s2] =	stream.indirect.scatter.add.f32 [tilespmem:s19], [sflag:$0x4], $0x80, s10, s17, $0xb8;
	[tilespmem:$0x1C400] =	vst v63  }
0xb5: {  	_ =	swait.ge [sflag:s7], $0x4000  }
0xb6: {  	[sflag:s7] =	ssyncset.done $0x0  }
.LBB2_3:
0xb7: {  	[sflag:s7] =	ssyncadd.s32 $0xFFFFC000  }
0xb8: {  	[bflag:$0x0] =	sbarrier.arrive $0xFFFF  }
0xb9: {  	s5 =	rddreg [dreg:$0xb]  }
0xba: {  	[hbm:s5], [sflag:s9] =	dma.local [spmem:s15], $0x2780  }
0xbb: {  	_ =	swait.ge [sflag:s7], $0x2780  }
0xbc: {  	[sflag:s7] =	ssyncset.done $0x0  }
0xbd: {  	[sflag:s7] =	ssyncadd.s32 $0xFFFFD880  }
0xbe: {  	[bflag:$0x0] =	sbarrier.arrive $0xFFFF  }
0xbf: {  	s13 =	rddreg [dreg:$0x8]  }
0xc0: {  	[spmem:s15], [sflag:s9] =	dma.local [hbm:s13], $0x2780  }
0xc1: {  	_ =	swait.ge [sflag:s7], $0x2780  }
0xc2: {  	[sflag:s7] =	ssyncset.done $0x0  }
0xc3: {  	s8 =	rddreg [dreg:$0x9];
	[sflag:s7] =	ssyncadd.s32 $0xFFFFD880  }
0xc4: {  	[tilespmem:s18], [sflag:$0x4] =	stream.linear.gather [hbm4b:s8+s3], $0x4000, $0x38;
	[tilespmem:$0x1C400] =	vst v63  }
0xc5: {  	_ =	swait.ge [sflag:s7], $0x4000  }
0xc6: {  	[sflag:s7] =	ssyncset.done $0x0  }
0xc7: {  	[sflag:s7] =	ssyncadd.s32 $0xFFFFC000  }
0xc8: {  	[bflag:$0x0] =	sbarrier.arrive $0xFFFF  }
0xc9: {  	[tilespmem:s16], [sflag:$0x4] =	stream.linear.gather [hbm4b:s14+s3], $0x400, $0x38;
	[tilespmem:$0x1C400] =	vst v63  }
0xca: {  	_ =	swait.ge [sflag:s7], $0x400  }
0xcb: {  	[sflag:s7] =	ssyncset.done $0x0  }
0xcc: {  	[sflag:s7] =	ssyncadd.s32 $0xFFFFFC00  }
0xcd: {  	[spmem:s2] =	stream.indirect.scatter.add.f32 [tilespmem:s18], [sflag:$0x3], $0x80, s16, s17, $0xb8;
	[tilespmem:$0x1C400] =	vst v63  }
0xce: {  	_ = 	snop  }
0xcf: {  	[spmem:s2] =	stream.indirect.scatter.add.f32 [tilespmem:s18], [sflag:$0x3], $0x80, s23, s17, $0xb8;
	[tilespmem:$0x1C400] =	vst v63  }
0xd0: {  	_ = 	snop  }
0xd1: {  	[spmem:s2] =	stream.indirect.scatter.add.f32 [tilespmem:s18], [sflag:$0x3], $0x80, s25, s17, $0xb8;
	[tilespmem:$0x1C400] =	vst v63  }
0xd2: {  	_ = 	snop  }
0xd3: {  	[spmem:s2] =	stream.indirect.scatter.add.f32 [tilespmem:s18], [sflag:$0x3], $0x80, s28, s17, $0xb8;
	[tilespmem:$0x1C400] =	vst v63  }
0xd4: {  	_ = 	snop  }
0xd5: {  	[spmem:s2] =	stream.indirect.scatter.add.f32 [tilespmem:s18], [sflag:$0x3], $0x80, s30, s17, $0xb8;
	[tilespmem:$0x1C400] =	vst v63  }
0xd6: {  	_ = 	snop  }
0xd7: {  	[spmem:s2] =	stream.indirect.scatter.add.f32 [tilespmem:s18], [sflag:$0x3], $0x80, s1, s17, $0xb8;
	[tilespmem:$0x1C400] =	vst v63  }
0xd8: {  	_ = 	snop  }
0xd9: {  	[spmem:s2] =	stream.indirect.scatter.add.f32 [tilespmem:s18], [sflag:$0x3], $0x80, s6, s17, $0xb8;
	[tilespmem:$0x1C400] =	vst v63  }
0xda: {  	_ = 	snop  }
0xdb: {  	[spmem:s2] =	stream.indirect.scatter.add.f32 [tilespmem:s18], [sflag:$0x3], $0x80, s10, s17, $0xb8;
	[tilespmem:$0x1C400] =	vst v63  }
0xdc: {  	_ =	swait.ge [sflag:s11], $0x4000  }
0xdd: {  	[sflag:s11] =	ssyncset.done $0x0  }
0xde: {  	[sflag:s11] =	ssyncadd.s32 $0xFFFFC000  }
0xdf: {  	_ =	swait.ge [sflag:s11], $0x4000  }
0xe0: {  	[sflag:s11] =	ssyncset.done $0x0  }
0xe1: {  	[sflag:s11] =	ssyncadd.s32 $0xFFFFC000  }
0xe2: {  	_ =	swait.ge [sflag:s11], $0x4000  }
0xe3: {  	[sflag:s11] =	ssyncset.done $0x0  }
0xe4: {  	[sflag:s11] =	ssyncadd.s32 $0xFFFFC000  }
0xe5: {  	_ =	swait.ge [sflag:s11], $0x4000  }
0xe6: {  	[sflag:s11] =	ssyncset.done $0x0  }
0xe7: {  	[sflag:s11] =	ssyncadd.s32 $0xFFFFC000  }
0xe8: {  	_ =	swait.ge [sflag:s11], $0x4000  }
0xe9: {  	[sflag:s11] =	ssyncset.done $0x0  }
0xea: {  	[sflag:s11] =	ssyncadd.s32 $0xFFFFC000  }
0xeb: {  	_ =	swait.ge [sflag:s11], $0x4000  }
0xec: {  	[sflag:s11] =	ssyncset.done $0x0  }
0xed: {  	[sflag:s11] =	ssyncadd.s32 $0xFFFFC000  }
0xee: {  	_ =	swait.ge [sflag:s11], $0x4000  }
.Ltmp2:
0xef: {  	[sflag:s11] =	ssyncset.done $0x0;
	(pc) =	sbr.rel @!p0 .LBB2_5-.Ltmp2, $4  }
0xf0: {  	[sflag:s11] =	ssyncadd.s32 $0xFFFFC000  }
0xf1: {  	_ =	swait.ge [sflag:s11], $0x4000  }
0xf2: {  	s13 =	rddreg [dreg:$0xa]  }
0xf3: {  	s8 =	smov.u32 s14;
	[sflag:s11] =	ssyncset.done $0x0;
	s5 =	sadd.s32 $0xFFFFFFFF, s13  }
.LBB2_4:
0xf4: {  	p0 =	sne.s32 s5, $0x1;
	[sflag:s11] =	ssyncadd.s32 $0xFFFFC000;
	s8 =	sadd.s32 $0x80, s8  }
0xf5: {  	[tilespmem:s16], [sflag:$0x4] =	stream.linear.gather [hbm4b:s8+s3], $0x400, $0x38;
	[tilespmem:$0x1C400] =	vst v63  }
0xf6: {  	s5 =	sadd.s32 $0xFFFFFFFF, s5;
	_ =	swait.ge [sflag:s7], $0x400  }
0xf7: {  	[sflag:s7] =	ssyncset.done $0x0  }
0xf8: {  	[sflag:s7] =	ssyncadd.s32 $0xFFFFFC00  }
0xf9: {  	[spmem:s2] =	stream.indirect.scatter.add.f32 [tilespmem:s18], [sflag:$0x3], $0x80, s16, s17, $0xb8;
	[tilespmem:$0x1C400] =	vst v63  }
0xfa: {  	_ = 	snop  }
0xfb: {  	[spmem:s2] =	stream.indirect.scatter.add.f32 [tilespmem:s18], [sflag:$0x3], $0x80, s23, s17, $0xb8;
	[tilespmem:$0x1C400] =	vst v63  }
0xfc: {  	_ = 	snop  }
0xfd: {  	[spmem:s2] =	stream.indirect.scatter.add.f32 [tilespmem:s18], [sflag:$0x3], $0x80, s25, s17, $0xb8;
	[tilespmem:$0x1C400] =	vst v63  }
0xfe: {  	_ = 	snop  }
0xff: {  	[spmem:s2] =	stream.indirect.scatter.add.f32 [tilespmem:s18], [sflag:$0x3], $0x80, s28, s17, $0xb8;
	[tilespmem:$0x1C400] =	vst v63  }
0x100: {  	_ = 	snop  }
0x101: {  	[spmem:s2] =	stream.indirect.scatter.add.f32 [tilespmem:s18], [sflag:$0x3], $0x80, s30, s17, $0xb8;
	[tilespmem:$0x1C400] =	vst v63  }
0x102: {  	_ = 	snop  }
0x103: {  	[spmem:s2] =	stream.indirect.scatter.add.f32 [tilespmem:s18], [sflag:$0x3], $0x80, s1, s17, $0xb8;
	[tilespmem:$0x1C400] =	vst v63  }
0x104: {  	_ = 	snop  }
0x105: {  	[spmem:s2] =	stream.indirect.scatter.add.f32 [tilespmem:s18], [sflag:$0x3], $0x80, s6, s17, $0xb8;
	[tilespmem:$0x1C400] =	vst v63  }
0x106: {  	_ = 	snop  }
0x107: {  	[spmem:s2] =	stream.indirect.scatter.add.f32 [tilespmem:s18], [sflag:$0x3], $0x80, s10, s17, $0xb8;
	[tilespmem:$0x1C400] =	vst v63  }
0x108: {  	_ =	swait.ge [sflag:s11], $0x4000  }
0x109: {  	[sflag:s11] =	ssyncset.done $0x0  }
0x10a: {  	[sflag:s11] =	ssyncadd.s32 $0xFFFFC000  }
0x10b: {  	_ =	swait.ge [sflag:s11], $0x4000  }
0x10c: {  	[sflag:s11] =	ssyncset.done $0x0  }
0x10d: {  	[sflag:s11] =	ssyncadd.s32 $0xFFFFC000  }
0x10e: {  	_ =	swait.ge [sflag:s11], $0x4000  }
0x10f: {  	[sflag:s11] =	ssyncset.done $0x0  }
0x110: {  	[sflag:s11] =	ssyncadd.s32 $0xFFFFC000  }
0x111: {  	_ =	swait.ge [sflag:s11], $0x4000  }
0x112: {  	[sflag:s11] =	ssyncset.done $0x0  }
0x113: {  	[sflag:s11] =	ssyncadd.s32 $0xFFFFC000  }
0x114: {  	_ =	swait.ge [sflag:s11], $0x4000  }
0x115: {  	[sflag:s11] =	ssyncset.done $0x0  }
0x116: {  	[sflag:s11] =	ssyncadd.s32 $0xFFFFC000  }
0x117: {  	_ =	swait.ge [sflag:s11], $0x4000  }
0x118: {  	[sflag:s11] =	ssyncset.done $0x0  }
0x119: {  	[sflag:s11] =	ssyncadd.s32 $0xFFFFC000  }
.Ltmp3:
0x11a: {  	_ =	swait.ge [sflag:s11], $0x4000;
	(pc) =	sbr.rel @p0 .LBB2_4-.Ltmp3, $4  }
0x11b: {  	[sflag:s11] =	ssyncset.done $0x0  }
0x11c: {  	[sflag:s11] =	ssyncadd.s32 $0xFFFFC000  }
0x11d: {  	_ =	swait.ge [sflag:s11], $0x4000  }
0x11e: {  	[sflag:s11] =	ssyncset.done $0x0  }
.LBB2_5:
0x11f: {  	[sflag:s11] =	ssyncadd.s32 $0xFFFFC000  }
0x120: {  	[bflag:$0x0] =	sbarrier.arrive $0xFFFF  }
0x121: {  	s5 =	rddreg [dreg:$0xc]  }
0x122: {  	[hbm:s5], [sflag:s9] =	dma.local [spmem:s15], $0x2780  }
0x123: {  	_ =	swait.ge [sflag:s7], $0x2780  }
0x124: {  	s12 =	sadd.s32 $0x1, s12;
	s13 =	rddreg [dreg:$0xd]  }
0x125: {  	p0 =	sne.s32 s12, s13  }
.Ltmp4:
0x126: {  	_ = 	snop;
	(pc) =	sbr.rel @p0 .LBB2_1-.Ltmp4, $3  }
0x127: {  	_ =	sdelay $0x1  }
0x128: {  	[sflag:s7] =	ssyncset.done $0x0  }
0x129: {  	[sflag:s7] =	ssyncadd.s32 $0xFFFFD880  }
0x12a: {  	_ =	sfence.sel $0x180000  }
0x12b: {  	[bflag:$0x0] =	sbarrier.arrive $0xFFFF  }
0x12c: {  	_ =	strace $0x90000047  }
0x12d: {  	s0 =	stileid.u32;
	[bflag:$0x2] =	sbarrier.arrive $0xFFFF  }
0x12e: {  	p0 =	sne.s32 s0, $0x0;
	s0 =	rddreg [dreg:$0x7]  }
0x12f: {  	s0 =	sadd.s32 @!p0 $0x100000, s0  }
0x130: {  	[sflag:s0] =	ssyncadd.tile.s32 @!p0 $0x1;
	_ =	shalt  }
.Lfunc_end2:
_tile_overlayer_lowered:
.L_overlay_start_2:
0x131: {  	(tag) =	ssettag $0x2  }
0x132: {  	s0 =	rddreg [dreg:$0x0];
	s2 =	stileid.u32  }
0x133: {  	s1 =	rddreg [dreg:$0x1];
	p0 =	sne.s32 s2, $0x0  }
0x134: {  	s3 =	rddreg [dreg:$0x2];
	[bflag:$0x3] =	sbarrier.arrive $0xFFFF;
	s2 =	simm.s32 @!p0 $0x1C04  }
0x135: {  	[timem:s3], [sflag:s2] =	dma.local @!p0 [hbm:s0], s1  }
0x136: {  	s0 =	simm.s32 @!p0 $0x4  }
0x137: {  	_ =	swait.ge @!p0 [sflag:s0], s1  }
0x138: {  	s1 =	ssub.s32 @!p0 $0x0, s1;
	[sflag:s0] =	ssyncset.done @!p0 $0x0  }
0x139: {  	[sflag:s0] =	ssyncadd.s32 @!p0 s1  }
0x13a: {  	[bflag:$0x3] =	sbarrier.arrive $0xFFFF  }
0x13b: {  	_ =	shalt  }

</sc_bundles>
